<compile_context>
chip_gen: v7x
topology: tpu7x:2x2x1
jax: 0.10.2.dev20260603
libtpu: 0.0.44.dev20260713+nightly
codegen_flags: <defaults>
</compile_context>

<pallas_src>
import functools

import jax
import jax.numpy as jnp
from jax import lax
from jax.experimental import pallas as pl
from jax.experimental.pallas import tpu as pltpu
from jax.experimental.pallas import tpu_sc as plsc

N = 10000
E = 320000
D = 128
H = 16
C = 10

NP = 10112
CH = 128
NT = 32
CPT = 80
EP = NT * CPT * CH
RP = NP // 16

_mesh = plsc.VectorSubcoreMesh(core_axis_name="c", subcore_axis_name="s")


@functools.partial(
    pl.kernel,
    out_type=(jax.ShapeDtypeStruct((NP,), jnp.float32),
              jax.ShapeDtypeStruct((NP,), jnp.float32)),
    mesh=_mesh,
    scratch_types=[
        pltpu.VMEM((CPT, CH), jnp.int32),
        pltpu.VMEM((CH,), jnp.float32),
        pltpu.VMEM((RP,), jnp.float32),
        pltpu.VMEM_SHARED((NP,), jnp.float32),
    ],
)
def _sc_deg(dst_hbm, zero1_hbm, out0_hbm, out1_hbm, idx_d, ones_v, stripe, acc):
    c = lax.axis_index("c")
    s = lax.axis_index("s")
    wid = c * 16 + s
    pltpu.sync_copy(zero1_hbm.at[pl.ds(s * RP, RP)], stripe)
    pltpu.sync_copy(stripe, acc.at[pl.ds(s * RP, RP)])
    for i in range(CH // 16):
        ones_v[pl.ds(i * 16, 16)] = jnp.full((16,), 1.0, jnp.float32)
    pltpu.sync_copy(dst_hbm.at[pl.ds(wid * CPT, CPT)], idx_d)
    plsc.subcore_barrier()

    def body(j, carry):
        pltpu.sync_copy(ones_v, acc.at[idx_d.at[j]], add=True)
        return carry

    lax.fori_loop(0, CPT, body, 0)
    plsc.subcore_barrier()

    pltpu.sync_copy(acc.at[pl.ds(s * RP, RP)], stripe)

    @pl.when(c == 0)
    def _():
        pltpu.sync_copy(stripe, out0_hbm.at[pl.ds(s * RP, RP)])

    @pl.when(c == 1)
    def _():
        pltpu.sync_copy(stripe, out1_hbm.at[pl.ds(s * RP, RP)])


@functools.partial(
    pl.kernel,
    out_type=jax.ShapeDtypeStruct((2, NP, H), jnp.float32),
    mesh=_mesh,
    scratch_types=[
        pltpu.VMEM((CPT, CH), jnp.int32),
        pltpu.VMEM((CPT, CH), jnp.int32),
        pltpu.VMEM((CH, H), jnp.float32),
        pltpu.VMEM((RP, H), jnp.float32),
        pltpu.VMEM_SHARED((NP, H), jnp.float32),
        pltpu.SemaphoreType.DMA,
    ],
    compiler_params=pltpu.CompilerParams(use_tc_tiling_on_sc=False),
)
def _sc_agg(u_hbm, src_hbm, dst_hbm, zero2_hbm, out_hbm, idx_s, idx_d, rows,
            stripe, acc, sem):
    c = lax.axis_index("c")
    s = lax.axis_index("s")
    wid = c * 16 + s
    pltpu.sync_copy(zero2_hbm.at[pl.ds(s * RP, RP)], stripe)
    pltpu.sync_copy(stripe, acc.at[pl.ds(s * RP, RP)])
    pltpu.sync_copy(src_hbm.at[pl.ds(wid * CPT, CPT)], idx_s)
    pltpu.sync_copy(dst_hbm.at[pl.ds(wid * CPT, CPT)], idx_d)
    plsc.subcore_barrier()

    def body(j, carry):
        pltpu.async_copy(u_hbm.at[idx_s.at[j]], rows, sem).wait()
        pltpu.sync_copy(rows, acc.at[idx_d.at[j]], add=True)
        return carry

    lax.fori_loop(0, CPT, body, 0)
    plsc.subcore_barrier()
    pltpu.sync_copy(acc.at[pl.ds(s * RP, RP)], stripe)
    pltpu.sync_copy(stripe, out_hbm.at[c, pl.ds(s * RP, RP)])


def _tc_a_body(x_ref, w1_ref, p0_ref, p1_ref, u_ref):
    xw = jnp.dot(x_ref[...], w1_ref[...], preferred_element_type=jnp.float32)
    dinv = lax.rsqrt(p0_ref[...] + p1_ref[...] + 1.0)
    u_ref[...] = xw * dinv


def _tc_b_body(a0_ref, a1_ref, u_ref, p0_ref, p1_ref, g_ref, bt_ref, b1_ref,
               w2_ref, v_ref):
    dinv = lax.rsqrt(p0_ref[...] + p1_ref[...] + 1.0)
    h = dinv * (a0_ref[...] + a1_ref[...] + u_ref[...]) + b1_ref[...]
    rowmask = lax.broadcasted_iota(jnp.int32, (NP, H), 0) < N
    hm = jnp.where(rowmask, h, 0.0)
    mean = jnp.sum(hm, axis=0, keepdims=True) * (1.0 / N)
    var = jnp.sum(hm * hm, axis=0, keepdims=True) * (1.0 / N) - mean * mean
    hn = g_ref[...] * (h - mean) * lax.rsqrt(var + 1e-5) + bt_ref[...]
    hr = jnp.maximum(hn, 0.0)
    hw2 = jnp.dot(hr, w2_ref[...], preferred_element_type=jnp.float32)
    v_ref[...] = jnp.where(rowmask, hw2 * dinv, 0.0)


def _tc_c_body(a0_ref, a1_ref, v_ref, p0_ref, p1_ref, b2_ref, out_ref):
    dinv = lax.rsqrt(p0_ref[...] + p1_ref[...] + 1.0)
    o = dinv * (a0_ref[...] + a1_ref[...] + v_ref[...]) + b2_ref[...]
    colmask = lax.broadcasted_iota(jnp.int32, (NP, H), 1) < C
    ol = jnp.where(colmask, o, -1e30)
    m = jnp.max(ol, axis=1, keepdims=True)
    lse = jnp.log(jnp.sum(jnp.exp(ol - m), axis=1, keepdims=True)) + m
    out_ref[...] = ol - lse


_tc_a = pl.pallas_call(
    _tc_a_body, out_shape=jax.ShapeDtypeStruct((NP, H), jnp.float32))
_tc_b = pl.pallas_call(
    _tc_b_body, out_shape=jax.ShapeDtypeStruct((NP, H), jnp.float32))
_tc_c = pl.pallas_call(
    _tc_c_body, out_shape=jax.ShapeDtypeStruct((NP, H), jnp.float32))


def kernel(x, edge_index, W1, b1, gamma, beta, W2, b2):
    src = edge_index[0]
    dst = edge_index[1]
    pad = jnp.full((EP - E,), N, jnp.int32)
    src_p = jnp.concatenate([src, pad]).reshape(EP // CH, CH)
    dst_p = jnp.concatenate([dst, pad]).reshape(EP // CH, CH)
    x_p = jnp.concatenate([x, jnp.zeros((NP - N, D), x.dtype)])
    z1 = jnp.zeros((NP,), jnp.float32)
    z2 = jnp.zeros((NP, H), jnp.float32)

    deg0, deg1 = _sc_deg(dst_p, z1)
    p0 = deg0.reshape(NP, 1)
    p1 = deg1.reshape(NP, 1)

    u = _tc_a(x_p, W1, p0, p1)
    agg1 = _sc_agg(u, src_p, dst_p, z2)

    W2p = jnp.concatenate([W2, jnp.zeros((H, H - C), jnp.float32)], axis=1)
    b2p = jnp.concatenate([b2, jnp.zeros((H - C,), jnp.float32)]).reshape(1, H)
    v = _tc_b(agg1[0], agg1[1], u, p0, p1, gamma.reshape(1, H),
              beta.reshape(1, H), b1.reshape(1, H), W2p)

    agg2 = _sc_agg(v, src_p, dst_p, z2)
    outp = _tc_c(agg2[0], agg2[1], v, p0, p1, b2p)
    return outp[:N, :C]

# --- scband reference (transcript-rebuilt; emitter-appended) ---
"""Pipeline reference for scband-gcn-31447750542019 (READ-ONLY COPY).

The authoritative reference and input builder live on the scoring server;
editing this copy changes nothing except your own understanding.
"""

import jax, jax.numpy as jnp
import numpy as np

N = 10000
E = 320000
D = 128
H = 16
C = 10

def setup_inputs(seed: int = 0) -> dict:
    key = jax.random.key(seed)
    ks = jax.random.split(key, 8)
    x = jax.random.normal(ks[0], (N, D), dtype=jnp.float32)
    edge_index = jax.random.randint(ks[1], (2, E), 0, N, dtype=jnp.int32)
    W1 = jax.random.normal(ks[2], (D, H), dtype=jnp.float32) * (1.0 / np.sqrt(D))
    b1 = jnp.zeros((H,), dtype=jnp.float32)
    gamma = jnp.ones((H,), dtype=jnp.float32)
    beta = jnp.zeros((H,), dtype=jnp.float32)
    W2 = jax.random.normal(ks[3], (H, C), dtype=jnp.float32) * (1.0 / np.sqrt(H))
    b2 = jnp.zeros((C,), dtype=jnp.float32)
    return {"x": x, "edge_index": edge_index, "W1": W1, "b1": b1, "gamma": gamma, "beta": beta, "W2": W2, "b2": b2}


def _gcn_conv(x, src, dst, W, b, n):
    # GCNConv (PyG semantics): linear transform, add self-loops, symmetric normalization, scatter-add aggregate
    xw = x @ W
    loop = jnp.arange(n, dtype=src.dtype)
    s = jnp.concatenate([src, loop])
    d = jnp.concatenate([dst, loop])
    deg = jnp.zeros((n,), dtype=xw.dtype).at[d].add(1.0)
    dinv = jnp.where(deg > 0, 1.0 / jnp.sqrt(deg), 0.0)
    norm = dinv[s] * dinv[d]
    msg = xw[s] * norm[:, None]
    out = jnp.zeros((n, xw.shape[1]), dtype=xw.dtype).at[d].add(msg)
    return out + b


def reference(x, edge_index, W1, b1, gamma, beta, W2, b2):
    src, dst = edge_index[0], edge_index[1]
    n = x.shape[0]
    h = _gcn_conv(x, src, dst, W1, b1, n)
    # BatchNorm1d in training mode: batch statistics (biased variance)
    mean = jnp.mean(h, axis=0)
    var = jnp.var(h, axis=0)
    h = gamma * (h - mean) / jnp.sqrt(var + 1e-5) + beta
    h = jax.nn.relu(h)
    h = _gcn_conv(h, src, dst, W2, b2, n)
    return jax.nn.log_softmax(h, axis=1)

if __name__ == "__main__":
    import jax
    _d = setup_inputs()
    print(jax.jit(kernel)(*tuple(_d.values())))

</pallas_src>

<mosaic_0001>
#map = affine_map<(d0, d1) -> (0, 0)>
#map1 = affine_map<(d0, d1) -> (0)>
module attributes {stable_mosaic.version = 14 : i64} {
  func.func @_sc_deg(%arg0: i32, %arg1: i32, %arg2: memref<2560x128xi32, #tpu.memory_space<hbm>>, %arg3: memref<10112xf32, #tpu.memory_space<hbm>>, %arg4: memref<10112xf32, #tpu.memory_space<hbm>>, %arg5: memref<10112xf32, #tpu.memory_space<hbm>>, %arg6: memref<80x128xi32, #tpu.memory_space<vmem>>, %arg7: memref<128xf32, #tpu.memory_space<vmem>>, %arg8: memref<632xf32, #tpu.memory_space<vmem>>, %arg9: memref<10112xf32, #tpu.memory_space<vmem_shared>>) attributes {dimension_semantics = [#tpu.dimension_semantics<core_parallel>, #tpu.dimension_semantics<subcore_parallel>], iteration_bounds = array<i64: 2, 16>, scalar_prefetch = 0 : i64, scratch_operands = 4 : i64, tpu.core_type = #tpu.core_type<sc_vector_subcore>, window_params = [{transform_indices = #map}, {transform_indices = #map1}, {transform_indices = #map1}, {transform_indices = #map1}]} {
    %mul3A = arith.constant 16 : i32
    %mul3A_0 = arith.muli %arg0, %mul3A : i32
    %add3A = arith.addi %mul3A_0, %arg1 : i32
    %mul3A_1 = arith.constant 632 : i32
    %mul3A_2 = arith.muli %arg1, %mul3A_1 : i32
    "tpu.region"() ({
      %run_scoped3A = tpu.sem_alloc : memref<!tpu.dma_semaphore, #tpu.memory_space<semaphore_mem>>
      %dma_start3A = tpu.memref_slice %arg3[%mul3A_2] : memref<10112xf32, #tpu.memory_space<hbm>> -> memref<632xf32, #tpu.memory_space<hbm>>
      %dma_start3A_68 = tpu.memref_slice %arg3[%mul3A_2] : memref<10112xf32, #tpu.memory_space<hbm>> -> memref<632xf32, #tpu.memory_space<hbm>>
      tpu.enqueue_dma source(%dma_start3A_68 : memref<632xf32, #tpu.memory_space<hbm>>) target(%arg8 : memref<632xf32, #tpu.memory_space<vmem>>) target_semaphore(%run_scoped3A : memref<!tpu.dma_semaphore, #tpu.memory_space<semaphore_mem>>)
      %dma_wait3A = tpu.memref_slice %arg3[%mul3A_2] : memref<10112xf32, #tpu.memory_space<hbm>> -> memref<632xf32, #tpu.memory_space<hbm>>
      %dma_wait3A_69 = tpu.memref_slice %arg3[%mul3A_2] : memref<10112xf32, #tpu.memory_space<hbm>> -> memref<632xf32, #tpu.memory_space<hbm>>
      tpu.wait_dma2 semaphore(%run_scoped3A : memref<!tpu.dma_semaphore, #tpu.memory_space<semaphore_mem>>) src(%dma_wait3A_69 : memref<632xf32, #tpu.memory_space<hbm>>) dst(%arg8 : memref<632xf32, #tpu.memory_space<vmem>>)
      tpu.yield
    }) : () -> ()
    %mul3A_3 = arith.constant 632 : i32
    %mul3A_4 = arith.muli %arg1, %mul3A_3 : i32
    "tpu.region"() ({
      %run_scoped3A = tpu.sem_alloc : memref<!tpu.dma_semaphore, #tpu.memory_space<semaphore_mem>>
      %dma_start3A = tpu.memref_slice %arg9[%mul3A_4] : memref<10112xf32, #tpu.memory_space<vmem_shared>> -> memref<632xf32, #tpu.memory_space<vmem_shared>>
      %dma_start3A_68 = tpu.memref_slice %arg9[%mul3A_4] : memref<10112xf32, #tpu.memory_space<vmem_shared>> -> memref<632xf32, #tpu.memory_space<vmem_shared>>
      tpu.enqueue_dma source(%arg8 : memref<632xf32, #tpu.memory_space<vmem>>) target(%dma_start3A_68 : memref<632xf32, #tpu.memory_space<vmem_shared>>) target_semaphore(%run_scoped3A : memref<!tpu.dma_semaphore, #tpu.memory_space<semaphore_mem>>)
      %dma_wait3A = tpu.memref_slice %arg9[%mul3A_4] : memref<10112xf32, #tpu.memory_space<vmem_shared>> -> memref<632xf32, #tpu.memory_space<vmem_shared>>
      %dma_wait3A_69 = tpu.memref_slice %arg9[%mul3A_4] : memref<10112xf32, #tpu.memory_space<vmem_shared>> -> memref<632xf32, #tpu.memory_space<vmem_shared>>
      tpu.wait_dma2 semaphore(%run_scoped3A : memref<!tpu.dma_semaphore, #tpu.memory_space<semaphore_mem>>) src(%arg8 : memref<632xf32, #tpu.memory_space<vmem>>) dst(%dma_wait3A_69 : memref<632xf32, #tpu.memory_space<vmem_shared>>)
      tpu.yield
    }) : () -> ()
    %broadcast_in_dim3A = arith.constant 1.000000e+00 : f32
    %broadcast_in_dim3A_5 = vector.broadcast %broadcast_in_dim3A : f32 to vector<16xf32>
    %swap3A = arith.constant 0 : index
    %swap3A_6 = tpu.vector_load %arg7[%swap3A] {strides = array<i32>} : memref<128xf32, #tpu.memory_space<vmem>>, vector<16xf32>,
    %swap3A_7 = vector.shape_cast %swap3A_6 : vector<16xf32> to vector<16xf32>
    %swap3A_8 = vector.shape_cast %broadcast_in_dim3A_5 : vector<16xf32> to vector<16xf32>
    tpu.vector_store %arg7[%swap3A], %swap3A_8 {strides = array<i32>} : memref<128xf32, #tpu.memory_space<vmem>>, vector<16xf32>,
    %broadcast_in_dim3A_9 = arith.constant 1.000000e+00 : f32
    %broadcast_in_dim3A_10 = vector.broadcast %broadcast_in_dim3A_9 : f32 to vector<16xf32>
    %swap3A_11 = arith.constant 16 : index
    %swap3A_12 = tpu.vector_load %arg7[%swap3A_11] {strides = array<i32>} : memref<128xf32, #tpu.memory_space<vmem>>, vector<16xf32>,
    %swap3A_13 = vector.shape_cast %swap3A_12 : vector<16xf32> to vector<16xf32>
    %swap3A_14 = vector.shape_cast %broadcast_in_dim3A_10 : vector<16xf32> to vector<16xf32>
    tpu.vector_store %arg7[%swap3A_11], %swap3A_14 {strides = array<i32>} : memref<128xf32, #tpu.memory_space<vmem>>, vector<16xf32>,
    %broadcast_in_dim3A_15 = arith.constant 1.000000e+00 : f32
    %broadcast_in_dim3A_16 = vector.broadcast %broadcast_in_dim3A_15 : f32 to vector<16xf32>
    %swap3A_17 = arith.constant 32 : index
    %swap3A_18 = tpu.vector_load %arg7[%swap3A_17] {strides = array<i32>} : memref<128xf32, #tpu.memory_space<vmem>>, vector<16xf32>,
    %swap3A_19 = vector.shape_cast %swap3A_18 : vector<16xf32> to vector<16xf32>
    %swap3A_20 = vector.shape_cast %broadcast_in_dim3A_16 : vector<16xf32> to vector<16xf32>
    tpu.vector_store %arg7[%swap3A_17], %swap3A_20 {strides = array<i32>} : memref<128xf32, #tpu.memory_space<vmem>>, vector<16xf32>,
    %broadcast_in_dim3A_21 = arith.constant 1.000000e+00 : f32
    %broadcast_in_dim3A_22 = vector.broadcast %broadcast_in_dim3A_21 : f32 to vector<16xf32>
    %swap3A_23 = arith.constant 48 : index
    %swap3A_24 = tpu.vector_load %arg7[%swap3A_23] {strides = array<i32>} : memref<128xf32, #tpu.memory_space<vmem>>, vector<16xf32>,
    %swap3A_25 = vector.shape_cast %swap3A_24 : vector<16xf32> to vector<16xf32>
    %swap3A_26 = vector.shape_cast %broadcast_in_dim3A_22 : vector<16xf32> to vector<16xf32>
    tpu.vector_store %arg7[%swap3A_23], %swap3A_26 {strides = array<i32>} : memref<128xf32, #tpu.memory_space<vmem>>, vector<16xf32>,
    %broadcast_in_dim3A_27 = arith.constant 1.000000e+00 : f32
    %broadcast_in_dim3A_28 = vector.broadcast %broadcast_in_dim3A_27 : f32 to vector<16xf32>
    %swap3A_29 = arith.constant 64 : index
    %swap3A_30 = tpu.vector_load %arg7[%swap3A_29] {strides = array<i32>} : memref<128xf32, #tpu.memory_space<vmem>>, vector<16xf32>,
    %swap3A_31 = vector.shape_cast %swap3A_30 : vector<16xf32> to vector<16xf32>
    %swap3A_32 = vector.shape_cast %broadcast_in_dim3A_28 : vector<16xf32> to vector<16xf32>
    tpu.vector_store %arg7[%swap3A_29], %swap3A_32 {strides = array<i32>} : memref<128xf32, #tpu.memory_space<vmem>>, vector<16xf32>,
    %broadcast_in_dim3A_33 = arith.constant 1.000000e+00 : f32
    %broadcast_in_dim3A_34 = vector.broadcast %broadcast_in_dim3A_33 : f32 to vector<16xf32>
    %swap3A_35 = arith.constant 80 : index
    %swap3A_36 = tpu.vector_load %arg7[%swap3A_35] {strides = array<i32>} : memref<128xf32, #tpu.memory_space<vmem>>, vector<16xf32>,
    %swap3A_37 = vector.shape_cast %swap3A_36 : vector<16xf32> to vector<16xf32>
    %swap3A_38 = vector.shape_cast %broadcast_in_dim3A_34 : vector<16xf32> to vector<16xf32>
    tpu.vector_store %arg7[%swap3A_35], %swap3A_38 {strides = array<i32>} : memref<128xf32, #tpu.memory_space<vmem>>, vector<16xf32>,
    %broadcast_in_dim3A_39 = arith.constant 1.000000e+00 : f32
    %broadcast_in_dim3A_40 = vector.broadcast %broadcast_in_dim3A_39 : f32 to vector<16xf32>
    %swap3A_41 = arith.constant 96 : index
    %swap3A_42 = tpu.vector_load %arg7[%swap3A_41] {strides = array<i32>} : memref<128xf32, #tpu.memory_space<vmem>>, vector<16xf32>,
    %swap3A_43 = vector.shape_cast %swap3A_42 : vector<16xf32> to vector<16xf32>
    %swap3A_44 = vector.shape_cast %broadcast_in_dim3A_40 : vector<16xf32> to vector<16xf32>
    tpu.vector_store %arg7[%swap3A_41], %swap3A_44 {strides = array<i32>} : memref<128xf32, #tpu.memory_space<vmem>>, vector<16xf32>,
    %broadcast_in_dim3A_45 = arith.constant 1.000000e+00 : f32
    %broadcast_in_dim3A_46 = vector.broadcast %broadcast_in_dim3A_45 : f32 to vector<16xf32>
    %swap3A_47 = arith.constant 112 : index
    %swap3A_48 = tpu.vector_load %arg7[%swap3A_47] {strides = array<i32>} : memref<128xf32, #tpu.memory_space<vmem>>, vector<16xf32>,
    %swap3A_49 = vector.shape_cast %swap3A_48 : vector<16xf32> to vector<16xf32>
    %swap3A_50 = vector.shape_cast %broadcast_in_dim3A_46 : vector<16xf32> to vector<16xf32>
    tpu.vector_store %arg7[%swap3A_47], %swap3A_50 {strides = array<i32>} : memref<128xf32, #tpu.memory_space<vmem>>, vector<16xf32>,
    %mul3A_51 = arith.constant 80 : i32
    %mul3A_52 = arith.muli %add3A, %mul3A_51 : i32
    "tpu.region"() ({
      %run_scoped3A = tpu.sem_alloc : memref<!tpu.dma_semaphore, #tpu.memory_space<semaphore_mem>>
      %dma_start3A = arith.constant 0 : i32
      %dma_start3A_68 = tpu.memref_slice %arg2[%mul3A_52, %dma_start3A] : memref<2560x128xi32, #tpu.memory_space<hbm>> -> memref<80x128xi32, #tpu.memory_space<hbm>>
      %dma_start3A_69 = arith.constant 0 : i32
      %dma_start3A_70 = tpu.memref_slice %arg2[%mul3A_52, %dma_start3A_69] : memref<2560x128xi32, #tpu.memory_space<hbm>> -> memref<80x128xi32, #tpu.memory_space<hbm>>
      tpu.enqueue_dma source(%dma_start3A_70 : memref<80x128xi32, #tpu.memory_space<hbm>>) target(%arg6 : memref<80x128xi32, #tpu.memory_space<vmem>>) target_semaphore(%run_scoped3A : memref<!tpu.dma_semaphore, #tpu.memory_space<semaphore_mem>>)
      %dma_wait3A = arith.constant 0 : i32
      %dma_wait3A_71 = tpu.memref_slice %arg2[%mul3A_52, %dma_wait3A] : memref<2560x128xi32, #tpu.memory_space<hbm>> -> memref<80x128xi32, #tpu.memory_space<hbm>>
      %dma_wait3A_72 = arith.constant 0 : i32
      %dma_wait3A_73 = tpu.memref_slice %arg2[%mul3A_52, %dma_wait3A_72] : memref<2560x128xi32, #tpu.memory_space<hbm>> -> memref<80x128xi32, #tpu.memory_space<hbm>>
      tpu.wait_dma2 semaphore(%run_scoped3A : memref<!tpu.dma_semaphore, #tpu.memory_space<semaphore_mem>>) src(%dma_wait3A_73 : memref<80x128xi32, #tpu.memory_space<hbm>>) dst(%arg6 : memref<80x128xi32, #tpu.memory_space<vmem>>)
      tpu.yield
    }) : () -> ()
    %barrier3A = arith.constant 0 : index
    tpu.barrier barrier_id(%barrier3A)
    %scan3A = arith.constant 0 : i32
    %scan3A_53 = arith.constant 0 : i32
    %scan3A_54 = arith.constant 80 : i32
    %scan3A_55 = arith.addi %scan3A_53, %scan3A_54 : i32
    %scan3A_56 = arith.constant 1 : i32
    scf.for %scan3A_68 = %scan3A_53 to %scan3A_55 step %scan3A_56  : i32 {
      "tpu.region"() ({
        %run_scoped3A = tpu.sem_alloc : memref<!tpu.dma_semaphore, #tpu.memory_space<semaphore_mem>>
        %dma_start3A = arith.constant 0 : i32
        %dma_start3A_69 = tpu.memref_slice %arg6[%scan3A_68, %dma_start3A] : memref<80x128xi32, #tpu.memory_space<vmem>> -> memref<1x128xi32, #tpu.memory_space<vmem>>
        %dma_start3A_70 = tpu.memref_squeeze %dma_start3A_69 : memref<1x128xi32, #tpu.memory_space<vmem>> -> memref<128xi32, #tpu.memory_space<vmem>>
        %dma_start3A_71 = arith.constant 0 : i32
        %dma_start3A_72 = tpu.memref_slice %arg9[%dma_start3A_71] : memref<10112xf32, #tpu.memory_space<vmem_shared>> -> memref<10112xf32, #tpu.memory_space<vmem_shared>>
        tpu.enqueue_indirect_dma source(%arg7 : memref<128xf32, #tpu.memory_space<vmem>>) target(%dma_start3A_72 : memref<10112xf32, #tpu.memory_space<vmem_shared>>) offsets(%dma_start3A_70 : memref<128xi32, #tpu.memory_space<vmem>>) semaphore(%run_scoped3A : memref<!tpu.dma_semaphore, #tpu.memory_space<semaphore_mem>>) {add = true}
        %dma_wait3A = arith.constant 0 : i32
        %dma_wait3A_73 = tpu.memref_slice %arg6[%scan3A_68, %dma_wait3A] : memref<80x128xi32, #tpu.memory_space<vmem>> -> memref<1x128xi32, #tpu.memory_space<vmem>>
        %dma_wait3A_74 = tpu.memref_squeeze %dma_wait3A_73 : memref<1x128xi32, #tpu.memory_space<vmem>> -> memref<128xi32, #tpu.memory_space<vmem>>
        %dma_wait3A_75 = arith.constant 0 : i32
        %dma_wait3A_76 = tpu.memref_slice %arg9[%dma_wait3A_75] : memref<10112xf32, #tpu.memory_space<vmem_shared>> -> memref<10112xf32, #tpu.memory_space<vmem_shared>>
        tpu.wait_indirect_dma semaphore(%run_scoped3A : memref<!tpu.dma_semaphore, #tpu.memory_space<semaphore_mem>>) src(%arg7 : memref<128xf32, #tpu.memory_space<vmem>>) dst(%dma_wait3A_76 : memref<10112xf32, #tpu.memory_space<vmem_shared>>)
        tpu.yield
      }) : () -> ()
    }
    %scan3A_57 = arith.constant 80 : i32
    %barrier3A_58 = arith.constant 0 : index
    tpu.barrier barrier_id(%barrier3A_58)
    %mul3A_59 = arith.constant 632 : i32
    %mul3A_60 = arith.muli %arg1, %mul3A_59 : i32
    "tpu.region"() ({
      %run_scoped3A = tpu.sem_alloc : memref<!tpu.dma_semaphore, #tpu.memory_space<semaphore_mem>>
      %dma_start3A = tpu.memref_slice %arg9[%mul3A_60] : memref<10112xf32, #tpu.memory_space<vmem_shared>> -> memref<632xf32, #tpu.memory_space<vmem_shared>>
      %dma_start3A_68 = tpu.memref_slice %arg9[%mul3A_60] : memref<10112xf32, #tpu.memory_space<vmem_shared>> -> memref<632xf32, #tpu.memory_space<vmem_shared>>
      tpu.enqueue_dma source(%dma_start3A_68 : memref<632xf32, #tpu.memory_space<vmem_shared>>) target(%arg8 : memref<632xf32, #tpu.memory_space<vmem>>) target_semaphore(%run_scoped3A : memref<!tpu.dma_semaphore, #tpu.memory_space<semaphore_mem>>)
      %dma_wait3A = tpu.memref_slice %arg9[%mul3A_60] : memref<10112xf32, #tpu.memory_space<vmem_shared>> -> memref<632xf32, #tpu.memory_space<vmem_shared>>
      %dma_wait3A_69 = tpu.memref_slice %arg9[%mul3A_60] : memref<10112xf32, #tpu.memory_space<vmem_shared>> -> memref<632xf32, #tpu.memory_space<vmem_shared>>
      tpu.wait_dma2 semaphore(%run_scoped3A : memref<!tpu.dma_semaphore, #tpu.memory_space<semaphore_mem>>) src(%dma_wait3A_69 : memref<632xf32, #tpu.memory_space<vmem_shared>>) dst(%arg8 : memref<632xf32, #tpu.memory_space<vmem>>)
      tpu.yield
    }) : () -> ()
    %eq3A = arith.constant 0 : i32
    %eq3A_61 = arith.cmpi eq, %arg0, %eq3A : i32
    %convert_element_type3A = arith.extui %eq3A_61 : i1 to i32
    %cond3A = arith.constant 0 : i32
    %cond3A_62 = arith.cmpi ne, %convert_element_type3A, %cond3A : i32
    scf.if %cond3A_62 {
      %mul3A_68 = arith.constant 632 : i32
      %mul3A_69 = arith.muli %arg1, %mul3A_68 : i32
      "tpu.region"() ({
        %run_scoped3A = tpu.sem_alloc : memref<!tpu.dma_semaphore, #tpu.memory_space<semaphore_mem>>
        %dma_start3A = tpu.memref_slice %arg4[%mul3A_69] : memref<10112xf32, #tpu.memory_space<hbm>> -> memref<632xf32, #tpu.memory_space<hbm>>
        %dma_start3A_70 = tpu.memref_slice %arg4[%mul3A_69] : memref<10112xf32, #tpu.memory_space<hbm>> -> memref<632xf32, #tpu.memory_space<hbm>>
        tpu.enqueue_dma source(%arg8 : memref<632xf32, #tpu.memory_space<vmem>>) target(%dma_start3A_70 : memref<632xf32, #tpu.memory_space<hbm>>) target_semaphore(%run_scoped3A : memref<!tpu.dma_semaphore, #tpu.memory_space<semaphore_mem>>)
        %dma_wait3A = tpu.memref_slice %arg4[%mul3A_69] : memref<10112xf32, #tpu.memory_space<hbm>> -> memref<632xf32, #tpu.memory_space<hbm>>
        %dma_wait3A_71 = tpu.memref_slice %arg4[%mul3A_69] : memref<10112xf32, #tpu.memory_space<hbm>> -> memref<632xf32, #tpu.memory_space<hbm>>
        tpu.wait_dma2 semaphore(%run_scoped3A : memref<!tpu.dma_semaphore, #tpu.memory_space<semaphore_mem>>) src(%arg8 : memref<632xf32, #tpu.memory_space<vmem>>) dst(%dma_wait3A_71 : memref<632xf32, #tpu.memory_space<hbm>>)
        tpu.yield
      }) : () -> ()
    } else {
    }
    %eq3A_63 = arith.constant 1 : i32
    %eq3A_64 = arith.cmpi eq, %arg0, %eq3A_63 : i32
    %convert_element_type3A_65 = arith.extui %eq3A_64 : i1 to i32
    %cond3A_66 = arith.constant 0 : i32
    %cond3A_67 = arith.cmpi ne, %convert_element_type3A_65, %cond3A_66 : i32
    scf.if %cond3A_67 {
      %mul3A_68 = arith.constant 632 : i32
      %mul3A_69 = arith.muli %arg1, %mul3A_68 : i32
      "tpu.region"() ({
        %run_scoped3A = tpu.sem_alloc : memref<!tpu.dma_semaphore, #tpu.memory_space<semaphore_mem>>
        %dma_start3A = tpu.memref_slice %arg5[%mul3A_69] : memref<10112xf32, #tpu.memory_space<hbm>> -> memref<632xf32, #tpu.memory_space<hbm>>
        %dma_start3A_70 = tpu.memref_slice %arg5[%mul3A_69] : memref<10112xf32, #tpu.memory_space<hbm>> -> memref<632xf32, #tpu.memory_space<hbm>>
        tpu.enqueue_dma source(%arg8 : memref<632xf32, #tpu.memory_space<vmem>>) target(%dma_start3A_70 : memref<632xf32, #tpu.memory_space<hbm>>) target_semaphore(%run_scoped3A : memref<!tpu.dma_semaphore, #tpu.memory_space<semaphore_mem>>)
        %dma_wait3A = tpu.memref_slice %arg5[%mul3A_69] : memref<10112xf32, #tpu.memory_space<hbm>> -> memref<632xf32, #tpu.memory_space<hbm>>
        %dma_wait3A_71 = tpu.memref_slice %arg5[%mul3A_69] : memref<10112xf32, #tpu.memory_space<hbm>> -> memref<632xf32, #tpu.memory_space<hbm>>
        tpu.wait_dma2 semaphore(%run_scoped3A : memref<!tpu.dma_semaphore, #tpu.memory_space<semaphore_mem>>) src(%arg8 : memref<632xf32, #tpu.memory_space<vmem>>) dst(%dma_wait3A_71 : memref<632xf32, #tpu.memory_space<hbm>>)
        tpu.yield
      }) : () -> ()
    } else {
    }
    return
  }
}

#map = affine_map<(d0, d1) -> (0, 0)>
#map1 = affine_map<(d0, d1) -> (0, 0, 0)>
module attributes {stable_mosaic.version = 14 : i64} {
  func.func @_sc_agg(%arg0: i32, %arg1: i32, %arg2: memref<10112x16xf32, #tpu.memory_space<hbm>>, %arg3: memref<2560x128xi32, #tpu.memory_space<hbm>>, %arg4: memref<2560x128xi32, #tpu.memory_space<hbm>>, %arg5: memref<10112x16xf32, #tpu.memory_space<hbm>>, %arg6: memref<2x10112x16xf32, #tpu.memory_space<hbm>>, %arg7: memref<80x128xi32, #tpu.memory_space<vmem>>, %arg8: memref<80x128xi32, #tpu.memory_space<vmem>>, %arg9: memref<128x16xf32, #tpu.memory_space<vmem>>, %arg10: memref<632x16xf32, #tpu.memory_space<vmem>>, %arg11: memref<10112x16xf32, #tpu.memory_space<vmem_shared>>, %arg12: memref<!tpu.dma_semaphore, #tpu.memory_space<semaphore_mem>>) attributes {dimension_semantics = [#tpu.dimension_semantics<core_parallel>, #tpu.dimension_semantics<subcore_parallel>], iteration_bounds = array<i64: 2, 16>, scalar_prefetch = 0 : i64, scratch_operands = 6 : i64, tpu.core_type = #tpu.core_type<sc_vector_subcore>, window_params = [{transform_indices = #map}, {transform_indices = #map}, {transform_indices = #map}, {transform_indices = #map}, {transform_indices = #map1}]} {
    %mul3A = arith.constant 16 : i32
    %mul3A_0 = arith.muli %arg0, %mul3A : i32
    %add3A = arith.addi %mul3A_0, %arg1 : i32
    %mul3A_1 = arith.constant 632 : i32
    %mul3A_2 = arith.muli %arg1, %mul3A_1 : i32
    "tpu.region"() ({
      %run_scoped3A = tpu.sem_alloc : memref<!tpu.dma_semaphore, #tpu.memory_space<semaphore_mem>>
      %dma_start3A = arith.constant 0 : i32
      %dma_start3A_19 = tpu.memref_slice %arg5[%mul3A_2, %dma_start3A] : memref<10112x16xf32, #tpu.memory_space<hbm>> -> memref<632x16xf32, #tpu.memory_space<hbm>>
      %dma_start3A_20 = arith.constant 0 : i32
      %dma_start3A_21 = tpu.memref_slice %arg5[%mul3A_2, %dma_start3A_20] : memref<10112x16xf32, #tpu.memory_space<hbm>> -> memref<632x16xf32, #tpu.memory_space<hbm>>
      tpu.enqueue_dma source(%dma_start3A_21 : memref<632x16xf32, #tpu.memory_space<hbm>>) target(%arg10 : memref<632x16xf32, #tpu.memory_space<vmem>>) target_semaphore(%run_scoped3A : memref<!tpu.dma_semaphore, #tpu.memory_space<semaphore_mem>>)
      %dma_wait3A = arith.constant 0 : i32
      %dma_wait3A_22 = tpu.memref_slice %arg5[%mul3A_2, %dma_wait3A] : memref<10112x16xf32, #tpu.memory_space<hbm>> -> memref<632x16xf32, #tpu.memory_space<hbm>>
      %dma_wait3A_23 = arith.constant 0 : i32
      %dma_wait3A_24 = tpu.memref_slice %arg5[%mul3A_2, %dma_wait3A_23] : memref<10112x16xf32, #tpu.memory_space<hbm>> -> memref<632x16xf32, #tpu.memory_space<hbm>>
      tpu.wait_dma2 semaphore(%run_scoped3A : memref<!tpu.dma_semaphore, #tpu.memory_space<semaphore_mem>>) src(%dma_wait3A_24 : memref<632x16xf32, #tpu.memory_space<hbm>>) dst(%arg10 : memref<632x16xf32, #tpu.memory_space<vmem>>)
      tpu.yield
    }) : () -> ()
    %mul3A_3 = arith.constant 632 : i32
    %mul3A_4 = arith.muli %arg1, %mul3A_3 : i32
    "tpu.region"() ({
      %run_scoped3A = tpu.sem_alloc : memref<!tpu.dma_semaphore, #tpu.memory_space<semaphore_mem>>
      %dma_start3A = arith.constant 0 : i32
      %dma_start3A_19 = tpu.memref_slice %arg11[%mul3A_4, %dma_start3A] : memref<10112x16xf32, #tpu.memory_space<vmem_shared>> -> memref<632x16xf32, #tpu.memory_space<vmem_shared>>
      %dma_start3A_20 = arith.constant 0 : i32
      %dma_start3A_21 = tpu.memref_slice %arg11[%mul3A_4, %dma_start3A_20] : memref<10112x16xf32, #tpu.memory_space<vmem_shared>> -> memref<632x16xf32, #tpu.memory_space<vmem_shared>>
      tpu.enqueue_dma source(%arg10 : memref<632x16xf32, #tpu.memory_space<vmem>>) target(%dma_start3A_21 : memref<632x16xf32, #tpu.memory_space<vmem_shared>>) target_semaphore(%run_scoped3A : memref<!tpu.dma_semaphore, #tpu.memory_space<semaphore_mem>>)
      %dma_wait3A = arith.constant 0 : i32
      %dma_wait3A_22 = tpu.memref_slice %arg11[%mul3A_4, %dma_wait3A] : memref<10112x16xf32, #tpu.memory_space<vmem_shared>> -> memref<632x16xf32, #tpu.memory_space<vmem_shared>>
      %dma_wait3A_23 = arith.constant 0 : i32
      %dma_wait3A_24 = tpu.memref_slice %arg11[%mul3A_4, %dma_wait3A_23] : memref<10112x16xf32, #tpu.memory_space<vmem_shared>> -> memref<632x16xf32, #tpu.memory_space<vmem_shared>>
      tpu.wait_dma2 semaphore(%run_scoped3A : memref<!tpu.dma_semaphore, #tpu.memory_space<semaphore_mem>>) src(%arg10 : memref<632x16xf32, #tpu.memory_space<vmem>>) dst(%dma_wait3A_24 : memref<632x16xf32, #tpu.memory_space<vmem_shared>>)
      tpu.yield
    }) : () -> ()
    %mul3A_5 = arith.constant 80 : i32
    %mul3A_6 = arith.muli %add3A, %mul3A_5 : i32
    "tpu.region"() ({
      %run_scoped3A = tpu.sem_alloc : memref<!tpu.dma_semaphore, #tpu.memory_space<semaphore_mem>>
      %dma_start3A = arith.constant 0 : i32
      %dma_start3A_19 = tpu.memref_slice %arg3[%mul3A_6, %dma_start3A] : memref<2560x128xi32, #tpu.memory_space<hbm>> -> memref<80x128xi32, #tpu.memory_space<hbm>>
      %dma_start3A_20 = arith.constant 0 : i32
      %dma_start3A_21 = tpu.memref_slice %arg3[%mul3A_6, %dma_start3A_20] : memref<2560x128xi32, #tpu.memory_space<hbm>> -> memref<80x128xi32, #tpu.memory_space<hbm>>
      tpu.enqueue_dma source(%dma_start3A_21 : memref<80x128xi32, #tpu.memory_space<hbm>>) target(%arg7 : memref<80x128xi32, #tpu.memory_space<vmem>>) target_semaphore(%run_scoped3A : memref<!tpu.dma_semaphore, #tpu.memory_space<semaphore_mem>>)
      %dma_wait3A = arith.constant 0 : i32
      %dma_wait3A_22 = tpu.memref_slice %arg3[%mul3A_6, %dma_wait3A] : memref<2560x128xi32, #tpu.memory_space<hbm>> -> memref<80x128xi32, #tpu.memory_space<hbm>>
      %dma_wait3A_23 = arith.constant 0 : i32
      %dma_wait3A_24 = tpu.memref_slice %arg3[%mul3A_6, %dma_wait3A_23] : memref<2560x128xi32, #tpu.memory_space<hbm>> -> memref<80x128xi32, #tpu.memory_space<hbm>>
      tpu.wait_dma2 semaphore(%run_scoped3A : memref<!tpu.dma_semaphore, #tpu.memory_space<semaphore_mem>>) src(%dma_wait3A_24 : memref<80x128xi32, #tpu.memory_space<hbm>>) dst(%arg7 : memref<80x128xi32, #tpu.memory_space<vmem>>)
      tpu.yield
    }) : () -> ()
    %mul3A_7 = arith.constant 80 : i32
    %mul3A_8 = arith.muli %add3A, %mul3A_7 : i32
    "tpu.region"() ({
      %run_scoped3A = tpu.sem_alloc : memref<!tpu.dma_semaphore, #tpu.memory_space<semaphore_mem>>
      %dma_start3A = arith.constant 0 : i32
      %dma_start3A_19 = tpu.memref_slice %arg4[%mul3A_8, %dma_start3A] : memref<2560x128xi32, #tpu.memory_space<hbm>> -> memref<80x128xi32, #tpu.memory_space<hbm>>
      %dma_start3A_20 = arith.constant 0 : i32
      %dma_start3A_21 = tpu.memref_slice %arg4[%mul3A_8, %dma_start3A_20] : memref<2560x128xi32, #tpu.memory_space<hbm>> -> memref<80x128xi32, #tpu.memory_space<hbm>>
      tpu.enqueue_dma source(%dma_start3A_21 : memref<80x128xi32, #tpu.memory_space<hbm>>) target(%arg8 : memref<80x128xi32, #tpu.memory_space<vmem>>) target_semaphore(%run_scoped3A : memref<!tpu.dma_semaphore, #tpu.memory_space<semaphore_mem>>)
      %dma_wait3A = arith.constant 0 : i32
      %dma_wait3A_22 = tpu.memref_slice %arg4[%mul3A_8, %dma_wait3A] : memref<2560x128xi32, #tpu.memory_space<hbm>> -> memref<80x128xi32, #tpu.memory_space<hbm>>
      %dma_wait3A_23 = arith.constant 0 : i32
      %dma_wait3A_24 = tpu.memref_slice %arg4[%mul3A_8, %dma_wait3A_23] : memref<2560x128xi32, #tpu.memory_space<hbm>> -> memref<80x128xi32, #tpu.memory_space<hbm>>
      tpu.wait_dma2 semaphore(%run_scoped3A : memref<!tpu.dma_semaphore, #tpu.memory_space<semaphore_mem>>) src(%dma_wait3A_24 : memref<80x128xi32, #tpu.memory_space<hbm>>) dst(%arg8 : memref<80x128xi32, #tpu.memory_space<vmem>>)
      tpu.yield
    }) : () -> ()
    %barrier3A = arith.constant 0 : index
    tpu.barrier barrier_id(%barrier3A)
    %scan3A = arith.constant 0 : i32
    %scan3A_9 = arith.constant 0 : i32
    %scan3A_10 = arith.constant 80 : i32
    %scan3A_11 = arith.addi %scan3A_9, %scan3A_10 : i32
    %scan3A_12 = arith.constant 1 : i32
    scf.for %scan3A_19 = %scan3A_9 to %scan3A_11 step %scan3A_12  : i32 {
      %dma_start3A = arith.constant 0 : i32
      %dma_start3A_20 = tpu.memref_slice %arg7[%scan3A_19, %dma_start3A] : memref<80x128xi32, #tpu.memory_space<vmem>> -> memref<1x128xi32, #tpu.memory_space<vmem>>
      %dma_start3A_21 = tpu.memref_squeeze %dma_start3A_20 : memref<1x128xi32, #tpu.memory_space<vmem>> -> memref<128xi32, #tpu.memory_space<vmem>>
      %dma_start3A_22 = arith.constant 0 : i32
      %dma_start3A_23 = arith.constant 0 : i32
      %dma_start3A_24 = tpu.memref_slice %arg2[%dma_start3A_22, %dma_start3A_23] : memref<10112x16xf32, #tpu.memory_space<hbm>> -> memref<10112x16xf32, #tpu.memory_space<hbm>>
      tpu.enqueue_indirect_dma source(%dma_start3A_24 : memref<10112x16xf32, #tpu.memory_space<hbm>>) target(%arg9 : memref<128x16xf32, #tpu.memory_space<vmem>>) offsets(%dma_start3A_21 : memref<128xi32, #tpu.memory_space<vmem>>) semaphore(%arg12 : memref<!tpu.dma_semaphore, #tpu.memory_space<semaphore_mem>>)
      %dma_wait3A = arith.constant 0 : i32
      %dma_wait3A_25 = tpu.memref_slice %arg7[%scan3A_19, %dma_wait3A] : memref<80x128xi32, #tpu.memory_space<vmem>> -> memref<1x128xi32, #tpu.memory_space<vmem>>
      %dma_wait3A_26 = tpu.memref_squeeze %dma_wait3A_25 : memref<1x128xi32, #tpu.memory_space<vmem>> -> memref<128xi32, #tpu.memory_space<vmem>>
      %dma_wait3A_27 = arith.constant 0 : i32
      %dma_wait3A_28 = arith.constant 0 : i32
      %dma_wait3A_29 = tpu.memref_slice %arg2[%dma_wait3A_27, %dma_wait3A_28] : memref<10112x16xf32, #tpu.memory_space<hbm>> -> memref<10112x16xf32, #tpu.memory_space<hbm>>
      tpu.wait_indirect_dma semaphore(%arg12 : memref<!tpu.dma_semaphore, #tpu.memory_space<semaphore_mem>>) src(%dma_wait3A_29 : memref<10112x16xf32, #tpu.memory_space<hbm>>) dst(%arg9 : memref<128x16xf32, #tpu.memory_space<vmem>>)
      "tpu.region"() ({
        %run_scoped3A = tpu.sem_alloc : memref<!tpu.dma_semaphore, #tpu.memory_space<semaphore_mem>>
        %dma_start3A_30 = arith.constant 0 : i32
        %dma_start3A_31 = tpu.memref_slice %arg8[%scan3A_19, %dma_start3A_30] : memref<80x128xi32, #tpu.memory_space<vmem>> -> memref<1x128xi32, #tpu.memory_space<vmem>>
        %dma_start3A_32 = tpu.memref_squeeze %dma_start3A_31 : memref<1x128xi32, #tpu.memory_space<vmem>> -> memref<128xi32, #tpu.memory_space<vmem>>
        %dma_start3A_33 = arith.constant 0 : i32
        %dma_start3A_34 = arith.constant 0 : i32
        %dma_start3A_35 = tpu.memref_slice %arg11[%dma_start3A_33, %dma_start3A_34] : memref<10112x16xf32, #tpu.memory_space<vmem_shared>> -> memref<10112x16xf32, #tpu.memory_space<vmem_shared>>
        tpu.enqueue_indirect_dma source(%arg9 : memref<128x16xf32, #tpu.memory_space<vmem>>) target(%dma_start3A_35 : memref<10112x16xf32, #tpu.memory_space<vmem_shared>>) offsets(%dma_start3A_32 : memref<128xi32, #tpu.memory_space<vmem>>) semaphore(%run_scoped3A : memref<!tpu.dma_semaphore, #tpu.memory_space<semaphore_mem>>) {add = true}
        %dma_wait3A_36 = arith.constant 0 : i32
        %dma_wait3A_37 = tpu.memref_slice %arg8[%scan3A_19, %dma_wait3A_36] : memref<80x128xi32, #tpu.memory_space<vmem>> -> memref<1x128xi32, #tpu.memory_space<vmem>>
        %dma_wait3A_38 = tpu.memref_squeeze %dma_wait3A_37 : memref<1x128xi32, #tpu.memory_space<vmem>> -> memref<128xi32, #tpu.memory_space<vmem>>
        %dma_wait3A_39 = arith.constant 0 : i32
        %dma_wait3A_40 = arith.constant 0 : i32
        %dma_wait3A_41 = tpu.memref_slice %arg11[%dma_wait3A_39, %dma_wait3A_40] : memref<10112x16xf32, #tpu.memory_space<vmem_shared>> -> memref<10112x16xf32, #tpu.memory_space<vmem_shared>>
        tpu.wait_indirect_dma semaphore(%run_scoped3A : memref<!tpu.dma_semaphore, #tpu.memory_space<semaphore_mem>>) src(%arg9 : memref<128x16xf32, #tpu.memory_space<vmem>>) dst(%dma_wait3A_41 : memref<10112x16xf32, #tpu.memory_space<vmem_shared>>)
        tpu.yield
      }) : () -> ()
    }
    %scan3A_13 = arith.constant 80 : i32
    %barrier3A_14 = arith.constant 0 : index
    tpu.barrier barrier_id(%barrier3A_14)
    %mul3A_15 = arith.constant 632 : i32
    %mul3A_16 = arith.muli %arg1, %mul3A_15 : i32
    "tpu.region"() ({
      %run_scoped3A = tpu.sem_alloc : memref<!tpu.dma_semaphore, #tpu.memory_space<semaphore_mem>>
      %dma_start3A = arith.constant 0 : i32
      %dma_start3A_19 = tpu.memref_slice %arg11[%mul3A_16, %dma_start3A] : memref<10112x16xf32, #tpu.memory_space<vmem_shared>> -> memref<632x16xf32, #tpu.memory_space<vmem_shared>>
      %dma_start3A_20 = arith.constant 0 : i32
      %dma_start3A_21 = tpu.memref_slice %arg11[%mul3A_16, %dma_start3A_20] : memref<10112x16xf32, #tpu.memory_space<vmem_shared>> -> memref<632x16xf32, #tpu.memory_space<vmem_shared>>
      tpu.enqueue_dma source(%dma_start3A_21 : memref<632x16xf32, #tpu.memory_space<vmem_shared>>) target(%arg10 : memref<632x16xf32, #tpu.memory_space<vmem>>) target_semaphore(%run_scoped3A : memref<!tpu.dma_semaphore, #tpu.memory_space<semaphore_mem>>)
      %dma_wait3A = arith.constant 0 : i32
      %dma_wait3A_22 = tpu.memref_slice %arg11[%mul3A_16, %dma_wait3A] : memref<10112x16xf32, #tpu.memory_space<vmem_shared>> -> memref<632x16xf32, #tpu.memory_space<vmem_shared>>
      %dma_wait3A_23 = arith.constant 0 : i32
      %dma_wait3A_24 = tpu.memref_slice %arg11[%mul3A_16, %dma_wait3A_23] : memref<10112x16xf32, #tpu.memory_space<vmem_shared>> -> memref<632x16xf32, #tpu.memory_space<vmem_shared>>
      tpu.wait_dma2 semaphore(%run_scoped3A : memref<!tpu.dma_semaphore, #tpu.memory_space<semaphore_mem>>) src(%dma_wait3A_24 : memref<632x16xf32, #tpu.memory_space<vmem_shared>>) dst(%arg10 : memref<632x16xf32, #tpu.memory_space<vmem>>)
      tpu.yield
    }) : () -> ()
    %mul3A_17 = arith.constant 632 : i32
    %mul3A_18 = arith.muli %arg1, %mul3A_17 : i32
    "tpu.region"() ({
      %run_scoped3A = tpu.sem_alloc : memref<!tpu.dma_semaphore, #tpu.memory_space<semaphore_mem>>
      %dma_start3A = arith.constant 0 : i32
      %dma_start3A_19 = tpu.memref_slice %arg6[%arg0, %mul3A_18, %dma_start3A] : memref<2x10112x16xf32, #tpu.memory_space<hbm>> -> memref<1x632x16xf32, #tpu.memory_space<hbm>>
      %dma_start3A_20 = tpu.memref_squeeze %dma_start3A_19 : memref<1x632x16xf32, #tpu.memory_space<hbm>> -> memref<632x16xf32, #tpu.memory_space<hbm>>
      %dma_start3A_21 = arith.constant 0 : i32
      %dma_start3A_22 = tpu.memref_slice %arg6[%arg0, %mul3A_18, %dma_start3A_21] : memref<2x10112x16xf32, #tpu.memory_space<hbm>> -> memref<1x632x16xf32, #tpu.memory_space<hbm>>
      %dma_start3A_23 = tpu.memref_squeeze %dma_start3A_22 : memref<1x632x16xf32, #tpu.memory_space<hbm>> -> memref<632x16xf32, #tpu.memory_space<hbm>>
      tpu.enqueue_dma source(%arg10 : memref<632x16xf32, #tpu.memory_space<vmem>>) target(%dma_start3A_23 : memref<632x16xf32, #tpu.memory_space<hbm>>) target_semaphore(%run_scoped3A : memref<!tpu.dma_semaphore, #tpu.memory_space<semaphore_mem>>)
      %dma_wait3A = arith.constant 0 : i32
      %dma_wait3A_24 = tpu.memref_slice %arg6[%arg0, %mul3A_18, %dma_wait3A] : memref<2x10112x16xf32, #tpu.memory_space<hbm>> -> memref<1x632x16xf32, #tpu.memory_space<hbm>>
      %dma_wait3A_25 = tpu.memref_squeeze %dma_wait3A_24 : memref<1x632x16xf32, #tpu.memory_space<hbm>> -> memref<632x16xf32, #tpu.memory_space<hbm>>
      %dma_wait3A_26 = arith.constant 0 : i32
      %dma_wait3A_27 = tpu.memref_slice %arg6[%arg0, %mul3A_18, %dma_wait3A_26] : memref<2x10112x16xf32, #tpu.memory_space<hbm>> -> memref<1x632x16xf32, #tpu.memory_space<hbm>>
      %dma_wait3A_28 = tpu.memref_squeeze %dma_wait3A_27 : memref<1x632x16xf32, #tpu.memory_space<hbm>> -> memref<632x16xf32, #tpu.memory_space<hbm>>
      tpu.wait_dma2 semaphore(%run_scoped3A : memref<!tpu.dma_semaphore, #tpu.memory_space<semaphore_mem>>) src(%arg10 : memref<632x16xf32, #tpu.memory_space<vmem>>) dst(%dma_wait3A_28 : memref<632x16xf32, #tpu.memory_space<hbm>>)
      tpu.yield
    }) : () -> ()
    return
  }
}

#map = affine_map<(d0, d1) -> (0, 0)>
#map1 = affine_map<(d0, d1) -> (0, 0, 0)>
module attributes {stable_mosaic.version = 14 : i64} {
  func.func @_sc_agg(%arg0: i32, %arg1: i32, %arg2: memref<10112x16xf32, #tpu.memory_space<hbm>>, %arg3: memref<2560x128xi32, #tpu.memory_space<hbm>>, %arg4: memref<2560x128xi32, #tpu.memory_space<hbm>>, %arg5: memref<10112x16xf32, #tpu.memory_space<hbm>>, %arg6: memref<2x10112x16xf32, #tpu.memory_space<hbm>>, %arg7: memref<80x128xi32, #tpu.memory_space<vmem>>, %arg8: memref<80x128xi32, #tpu.memory_space<vmem>>, %arg9: memref<128x16xf32, #tpu.memory_space<vmem>>, %arg10: memref<632x16xf32, #tpu.memory_space<vmem>>, %arg11: memref<10112x16xf32, #tpu.memory_space<vmem_shared>>, %arg12: memref<!tpu.dma_semaphore, #tpu.memory_space<semaphore_mem>>) attributes {dimension_semantics = [#tpu.dimension_semantics<core_parallel>, #tpu.dimension_semantics<subcore_parallel>], iteration_bounds = array<i64: 2, 16>, scalar_prefetch = 0 : i64, scratch_operands = 6 : i64, tpu.core_type = #tpu.core_type<sc_vector_subcore>, window_params = [{transform_indices = #map}, {transform_indices = #map}, {transform_indices = #map}, {transform_indices = #map}, {transform_indices = #map1}]} {
    %mul3A = arith.constant 16 : i32
    %mul3A_0 = arith.muli %arg0, %mul3A : i32
    %add3A = arith.addi %mul3A_0, %arg1 : i32
    %mul3A_1 = arith.constant 632 : i32
    %mul3A_2 = arith.muli %arg1, %mul3A_1 : i32
    "tpu.region"() ({
      %run_scoped3A = tpu.sem_alloc : memref<!tpu.dma_semaphore, #tpu.memory_space<semaphore_mem>>
      %dma_start3A = arith.constant 0 : i32
      %dma_start3A_19 = tpu.memref_slice %arg5[%mul3A_2, %dma_start3A] : memref<10112x16xf32, #tpu.memory_space<hbm>> -> memref<632x16xf32, #tpu.memory_space<hbm>>
      %dma_start3A_20 = arith.constant 0 : i32
      %dma_start3A_21 = tpu.memref_slice %arg5[%mul3A_2, %dma_start3A_20] : memref<10112x16xf32, #tpu.memory_space<hbm>> -> memref<632x16xf32, #tpu.memory_space<hbm>>
      tpu.enqueue_dma source(%dma_start3A_21 : memref<632x16xf32, #tpu.memory_space<hbm>>) target(%arg10 : memref<632x16xf32, #tpu.memory_space<vmem>>) target_semaphore(%run_scoped3A : memref<!tpu.dma_semaphore, #tpu.memory_space<semaphore_mem>>)
      %dma_wait3A = arith.constant 0 : i32
      %dma_wait3A_22 = tpu.memref_slice %arg5[%mul3A_2, %dma_wait3A] : memref<10112x16xf32, #tpu.memory_space<hbm>> -> memref<632x16xf32, #tpu.memory_space<hbm>>
      %dma_wait3A_23 = arith.constant 0 : i32
      %dma_wait3A_24 = tpu.memref_slice %arg5[%mul3A_2, %dma_wait3A_23] : memref<10112x16xf32, #tpu.memory_space<hbm>> -> memref<632x16xf32, #tpu.memory_space<hbm>>
      tpu.wait_dma2 semaphore(%run_scoped3A : memref<!tpu.dma_semaphore, #tpu.memory_space<semaphore_mem>>) src(%dma_wait3A_24 : memref<632x16xf32, #tpu.memory_space<hbm>>) dst(%arg10 : memref<632x16xf32, #tpu.memory_space<vmem>>)
      tpu.yield
    }) : () -> ()
    %mul3A_3 = arith.constant 632 : i32
    %mul3A_4 = arith.muli %arg1, %mul3A_3 : i32
    "tpu.region"() ({
      %run_scoped3A = tpu.sem_alloc : memref<!tpu.dma_semaphore, #tpu.memory_space<semaphore_mem>>
      %dma_start3A = arith.constant 0 : i32
      %dma_start3A_19 = tpu.memref_slice %arg11[%mul3A_4, %dma_start3A] : memref<10112x16xf32, #tpu.memory_space<vmem_shared>> -> memref<632x16xf32, #tpu.memory_space<vmem_shared>>
      %dma_start3A_20 = arith.constant 0 : i32
      %dma_start3A_21 = tpu.memref_slice %arg11[%mul3A_4, %dma_start3A_20] : memref<10112x16xf32, #tpu.memory_space<vmem_shared>> -> memref<632x16xf32, #tpu.memory_space<vmem_shared>>
      tpu.enqueue_dma source(%arg10 : memref<632x16xf32, #tpu.memory_space<vmem>>) target(%dma_start3A_21 : memref<632x16xf32, #tpu.memory_space<vmem_shared>>) target_semaphore(%run_scoped3A : memref<!tpu.dma_semaphore, #tpu.memory_space<semaphore_mem>>)
      %dma_wait3A = arith.constant 0 : i32
      %dma_wait3A_22 = tpu.memref_slice %arg11[%mul3A_4, %dma_wait3A] : memref<10112x16xf32, #tpu.memory_space<vmem_shared>> -> memref<632x16xf32, #tpu.memory_space<vmem_shared>>
      %dma_wait3A_23 = arith.constant 0 : i32
      %dma_wait3A_24 = tpu.memref_slice %arg11[%mul3A_4, %dma_wait3A_23] : memref<10112x16xf32, #tpu.memory_space<vmem_shared>> -> memref<632x16xf32, #tpu.memory_space<vmem_shared>>
      tpu.wait_dma2 semaphore(%run_scoped3A : memref<!tpu.dma_semaphore, #tpu.memory_space<semaphore_mem>>) src(%arg10 : memref<632x16xf32, #tpu.memory_space<vmem>>) dst(%dma_wait3A_24 : memref<632x16xf32, #tpu.memory_space<vmem_shared>>)
      tpu.yield
    }) : () -> ()
    %mul3A_5 = arith.constant 80 : i32
    %mul3A_6 = arith.muli %add3A, %mul3A_5 : i32
    "tpu.region"() ({
      %run_scoped3A = tpu.sem_alloc : memref<!tpu.dma_semaphore, #tpu.memory_space<semaphore_mem>>
      %dma_start3A = arith.constant 0 : i32
      %dma_start3A_19 = tpu.memref_slice %arg3[%mul3A_6, %dma_start3A] : memref<2560x128xi32, #tpu.memory_space<hbm>> -> memref<80x128xi32, #tpu.memory_space<hbm>>
      %dma_start3A_20 = arith.constant 0 : i32
      %dma_start3A_21 = tpu.memref_slice %arg3[%mul3A_6, %dma_start3A_20] : memref<2560x128xi32, #tpu.memory_space<hbm>> -> memref<80x128xi32, #tpu.memory_space<hbm>>
      tpu.enqueue_dma source(%dma_start3A_21 : memref<80x128xi32, #tpu.memory_space<hbm>>) target(%arg7 : memref<80x128xi32, #tpu.memory_space<vmem>>) target_semaphore(%run_scoped3A : memref<!tpu.dma_semaphore, #tpu.memory_space<semaphore_mem>>)
      %dma_wait3A = arith.constant 0 : i32
      %dma_wait3A_22 = tpu.memref_slice %arg3[%mul3A_6, %dma_wait3A] : memref<2560x128xi32, #tpu.memory_space<hbm>> -> memref<80x128xi32, #tpu.memory_space<hbm>>
      %dma_wait3A_23 = arith.constant 0 : i32
      %dma_wait3A_24 = tpu.memref_slice %arg3[%mul3A_6, %dma_wait3A_23] : memref<2560x128xi32, #tpu.memory_space<hbm>> -> memref<80x128xi32, #tpu.memory_space<hbm>>
      tpu.wait_dma2 semaphore(%run_scoped3A : memref<!tpu.dma_semaphore, #tpu.memory_space<semaphore_mem>>) src(%dma_wait3A_24 : memref<80x128xi32, #tpu.memory_space<hbm>>) dst(%arg7 : memref<80x128xi32, #tpu.memory_space<vmem>>)
      tpu.yield
    }) : () -> ()
    %mul3A_7 = arith.constant 80 : i32
    %mul3A_8 = arith.muli %add3A, %mul3A_7 : i32
    "tpu.region"() ({
      %run_scoped3A = tpu.sem_alloc : memref<!tpu.dma_semaphore, #tpu.memory_space<semaphore_mem>>
      %dma_start3A = arith.constant 0 : i32
      %dma_start3A_19 = tpu.memref_slice %arg4[%mul3A_8, %dma_start3A] : memref<2560x128xi32, #tpu.memory_space<hbm>> -> memref<80x128xi32, #tpu.memory_space<hbm>>
      %dma_start3A_20 = arith.constant 0 : i32
      %dma_start3A_21 = tpu.memref_slice %arg4[%mul3A_8, %dma_start3A_20] : memref<2560x128xi32, #tpu.memory_space<hbm>> -> memref<80x128xi32, #tpu.memory_space<hbm>>
      tpu.enqueue_dma source(%dma_start3A_21 : memref<80x128xi32, #tpu.memory_space<hbm>>) target(%arg8 : memref<80x128xi32, #tpu.memory_space<vmem>>) target_semaphore(%run_scoped3A : memref<!tpu.dma_semaphore, #tpu.memory_space<semaphore_mem>>)
      %dma_wait3A = arith.constant 0 : i32
      %dma_wait3A_22 = tpu.memref_slice %arg4[%mul3A_8, %dma_wait3A] : memref<2560x128xi32, #tpu.memory_space<hbm>> -> memref<80x128xi32, #tpu.memory_space<hbm>>
      %dma_wait3A_23 = arith.constant 0 : i32
      %dma_wait3A_24 = tpu.memref_slice %arg4[%mul3A_8, %dma_wait3A_23] : memref<2560x128xi32, #tpu.memory_space<hbm>> -> memref<80x128xi32, #tpu.memory_space<hbm>>
      tpu.wait_dma2 semaphore(%run_scoped3A : memref<!tpu.dma_semaphore, #tpu.memory_space<semaphore_mem>>) src(%dma_wait3A_24 : memref<80x128xi32, #tpu.memory_space<hbm>>) dst(%arg8 : memref<80x128xi32, #tpu.memory_space<vmem>>)
      tpu.yield
    }) : () -> ()
    %barrier3A = arith.constant 0 : index
    tpu.barrier barrier_id(%barrier3A)
    %scan3A = arith.constant 0 : i32
    %scan3A_9 = arith.constant 0 : i32
    %scan3A_10 = arith.constant 80 : i32
    %scan3A_11 = arith.addi %scan3A_9, %scan3A_10 : i32
    %scan3A_12 = arith.constant 1 : i32
    scf.for %scan3A_19 = %scan3A_9 to %scan3A_11 step %scan3A_12  : i32 {
      %dma_start3A = arith.constant 0 : i32
      %dma_start3A_20 = tpu.memref_slice %arg7[%scan3A_19, %dma_start3A] : memref<80x128xi32, #tpu.memory_space<vmem>> -> memref<1x128xi32, #tpu.memory_space<vmem>>
      %dma_start3A_21 = tpu.memref_squeeze %dma_start3A_20 : memref<1x128xi32, #tpu.memory_space<vmem>> -> memref<128xi32, #tpu.memory_space<vmem>>
      %dma_start3A_22 = arith.constant 0 : i32
      %dma_start3A_23 = arith.constant 0 : i32
      %dma_start3A_24 = tpu.memref_slice %arg2[%dma_start3A_22, %dma_start3A_23] : memref<10112x16xf32, #tpu.memory_space<hbm>> -> memref<10112x16xf32, #tpu.memory_space<hbm>>
      tpu.enqueue_indirect_dma source(%dma_start3A_24 : memref<10112x16xf32, #tpu.memory_space<hbm>>) target(%arg9 : memref<128x16xf32, #tpu.memory_space<vmem>>) offsets(%dma_start3A_21 : memref<128xi32, #tpu.memory_space<vmem>>) semaphore(%arg12 : memref<!tpu.dma_semaphore, #tpu.memory_space<semaphore_mem>>)
      %dma_wait3A = arith.constant 0 : i32
      %dma_wait3A_25 = tpu.memref_slice %arg7[%scan3A_19, %dma_wait3A] : memref<80x128xi32, #tpu.memory_space<vmem>> -> memref<1x128xi32, #tpu.memory_space<vmem>>
      %dma_wait3A_26 = tpu.memref_squeeze %dma_wait3A_25 : memref<1x128xi32, #tpu.memory_space<vmem>> -> memref<128xi32, #tpu.memory_space<vmem>>
      %dma_wait3A_27 = arith.constant 0 : i32
      %dma_wait3A_28 = arith.constant 0 : i32
      %dma_wait3A_29 = tpu.memref_slice %arg2[%dma_wait3A_27, %dma_wait3A_28] : memref<10112x16xf32, #tpu.memory_space<hbm>> -> memref<10112x16xf32, #tpu.memory_space<hbm>>
      tpu.wait_indirect_dma semaphore(%arg12 : memref<!tpu.dma_semaphore, #tpu.memory_space<semaphore_mem>>) src(%dma_wait3A_29 : memref<10112x16xf32, #tpu.memory_space<hbm>>) dst(%arg9 : memref<128x16xf32, #tpu.memory_space<vmem>>)
      "tpu.region"() ({
        %run_scoped3A = tpu.sem_alloc : memref<!tpu.dma_semaphore, #tpu.memory_space<semaphore_mem>>
        %dma_start3A_30 = arith.constant 0 : i32
        %dma_start3A_31 = tpu.memref_slice %arg8[%scan3A_19, %dma_start3A_30] : memref<80x128xi32, #tpu.memory_space<vmem>> -> memref<1x128xi32, #tpu.memory_space<vmem>>
        %dma_start3A_32 = tpu.memref_squeeze %dma_start3A_31 : memref<1x128xi32, #tpu.memory_space<vmem>> -> memref<128xi32, #tpu.memory_space<vmem>>
        %dma_start3A_33 = arith.constant 0 : i32
        %dma_start3A_34 = arith.constant 0 : i32
        %dma_start3A_35 = tpu.memref_slice %arg11[%dma_start3A_33, %dma_start3A_34] : memref<10112x16xf32, #tpu.memory_space<vmem_shared>> -> memref<10112x16xf32, #tpu.memory_space<vmem_shared>>
        tpu.enqueue_indirect_dma source(%arg9 : memref<128x16xf32, #tpu.memory_space<vmem>>) target(%dma_start3A_35 : memref<10112x16xf32, #tpu.memory_space<vmem_shared>>) offsets(%dma_start3A_32 : memref<128xi32, #tpu.memory_space<vmem>>) semaphore(%run_scoped3A : memref<!tpu.dma_semaphore, #tpu.memory_space<semaphore_mem>>) {add = true}
        %dma_wait3A_36 = arith.constant 0 : i32
        %dma_wait3A_37 = tpu.memref_slice %arg8[%scan3A_19, %dma_wait3A_36] : memref<80x128xi32, #tpu.memory_space<vmem>> -> memref<1x128xi32, #tpu.memory_space<vmem>>
        %dma_wait3A_38 = tpu.memref_squeeze %dma_wait3A_37 : memref<1x128xi32, #tpu.memory_space<vmem>> -> memref<128xi32, #tpu.memory_space<vmem>>
        %dma_wait3A_39 = arith.constant 0 : i32
        %dma_wait3A_40 = arith.constant 0 : i32
        %dma_wait3A_41 = tpu.memref_slice %arg11[%dma_wait3A_39, %dma_wait3A_40] : memref<10112x16xf32, #tpu.memory_space<vmem_shared>> -> memref<10112x16xf32, #tpu.memory_space<vmem_shared>>
        tpu.wait_indirect_dma semaphore(%run_scoped3A : memref<!tpu.dma_semaphore, #tpu.memory_space<semaphore_mem>>) src(%arg9 : memref<128x16xf32, #tpu.memory_space<vmem>>) dst(%dma_wait3A_41 : memref<10112x16xf32, #tpu.memory_space<vmem_shared>>)
        tpu.yield
      }) : () -> ()
    }
    %scan3A_13 = arith.constant 80 : i32
    %barrier3A_14 = arith.constant 0 : index
    tpu.barrier barrier_id(%barrier3A_14)
    %mul3A_15 = arith.constant 632 : i32
    %mul3A_16 = arith.muli %arg1, %mul3A_15 : i32
    "tpu.region"() ({
      %run_scoped3A = tpu.sem_alloc : memref<!tpu.dma_semaphore, #tpu.memory_space<semaphore_mem>>
      %dma_start3A = arith.constant 0 : i32
      %dma_start3A_19 = tpu.memref_slice %arg11[%mul3A_16, %dma_start3A] : memref<10112x16xf32, #tpu.memory_space<vmem_shared>> -> memref<632x16xf32, #tpu.memory_space<vmem_shared>>
      %dma_start3A_20 = arith.constant 0 : i32
      %dma_start3A_21 = tpu.memref_slice %arg11[%mul3A_16, %dma_start3A_20] : memref<10112x16xf32, #tpu.memory_space<vmem_shared>> -> memref<632x16xf32, #tpu.memory_space<vmem_shared>>
      tpu.enqueue_dma source(%dma_start3A_21 : memref<632x16xf32, #tpu.memory_space<vmem_shared>>) target(%arg10 : memref<632x16xf32, #tpu.memory_space<vmem>>) target_semaphore(%run_scoped3A : memref<!tpu.dma_semaphore, #tpu.memory_space<semaphore_mem>>)
      %dma_wait3A = arith.constant 0 : i32
      %dma_wait3A_22 = tpu.memref_slice %arg11[%mul3A_16, %dma_wait3A] : memref<10112x16xf32, #tpu.memory_space<vmem_shared>> -> memref<632x16xf32, #tpu.memory_space<vmem_shared>>
      %dma_wait3A_23 = arith.constant 0 : i32
      %dma_wait3A_24 = tpu.memref_slice %arg11[%mul3A_16, %dma_wait3A_23] : memref<10112x16xf32, #tpu.memory_space<vmem_shared>> -> memref<632x16xf32, #tpu.memory_space<vmem_shared>>
      tpu.wait_dma2 semaphore(%run_scoped3A : memref<!tpu.dma_semaphore, #tpu.memory_space<semaphore_mem>>) src(%dma_wait3A_24 : memref<632x16xf32, #tpu.memory_space<vmem_shared>>) dst(%arg10 : memref<632x16xf32, #tpu.memory_space<vmem>>)
      tpu.yield
    }) : () -> ()
    %mul3A_17 = arith.constant 632 : i32
    %mul3A_18 = arith.muli %arg1, %mul3A_17 : i32
    "tpu.region"() ({
      %run_scoped3A = tpu.sem_alloc : memref<!tpu.dma_semaphore, #tpu.memory_space<semaphore_mem>>
      %dma_start3A = arith.constant 0 : i32
      %dma_start3A_19 = tpu.memref_slice %arg6[%arg0, %mul3A_18, %dma_start3A] : memref<2x10112x16xf32, #tpu.memory_space<hbm>> -> memref<1x632x16xf32, #tpu.memory_space<hbm>>
      %dma_start3A_20 = tpu.memref_squeeze %dma_start3A_19 : memref<1x632x16xf32, #tpu.memory_space<hbm>> -> memref<632x16xf32, #tpu.memory_space<hbm>>
      %dma_start3A_21 = arith.constant 0 : i32
      %dma_start3A_22 = tpu.memref_slice %arg6[%arg0, %mul3A_18, %dma_start3A_21] : memref<2x10112x16xf32, #tpu.memory_space<hbm>> -> memref<1x632x16xf32, #tpu.memory_space<hbm>>
      %dma_start3A_23 = tpu.memref_squeeze %dma_start3A_22 : memref<1x632x16xf32, #tpu.memory_space<hbm>> -> memref<632x16xf32, #tpu.memory_space<hbm>>
      tpu.enqueue_dma source(%arg10 : memref<632x16xf32, #tpu.memory_space<vmem>>) target(%dma_start3A_23 : memref<632x16xf32, #tpu.memory_space<hbm>>) target_semaphore(%run_scoped3A : memref<!tpu.dma_semaphore, #tpu.memory_space<semaphore_mem>>)
      %dma_wait3A = arith.constant 0 : i32
      %dma_wait3A_24 = tpu.memref_slice %arg6[%arg0, %mul3A_18, %dma_wait3A] : memref<2x10112x16xf32, #tpu.memory_space<hbm>> -> memref<1x632x16xf32, #tpu.memory_space<hbm>>
      %dma_wait3A_25 = tpu.memref_squeeze %dma_wait3A_24 : memref<1x632x16xf32, #tpu.memory_space<hbm>> -> memref<632x16xf32, #tpu.memory_space<hbm>>
      %dma_wait3A_26 = arith.constant 0 : i32
      %dma_wait3A_27 = tpu.memref_slice %arg6[%arg0, %mul3A_18, %dma_wait3A_26] : memref<2x10112x16xf32, #tpu.memory_space<hbm>> -> memref<1x632x16xf32, #tpu.memory_space<hbm>>
      %dma_wait3A_28 = tpu.memref_squeeze %dma_wait3A_27 : memref<1x632x16xf32, #tpu.memory_space<hbm>> -> memref<632x16xf32, #tpu.memory_space<hbm>>
      tpu.wait_dma2 semaphore(%run_scoped3A : memref<!tpu.dma_semaphore, #tpu.memory_space<semaphore_mem>>) src(%arg10 : memref<632x16xf32, #tpu.memory_space<vmem>>) dst(%dma_wait3A_28 : memref<632x16xf32, #tpu.memory_space<hbm>>)
      tpu.yield
    }) : () -> ()
    return
  }
}

module attributes {stable_mosaic.version = 14 : i64} {
  func.func @_tc_a_body(%arg0: memref<10112x128xf32, #tpu.memory_space<vmem>>, %arg1: memref<128x16xf32, #tpu.memory_space<vmem>>, %arg2: memref<10112x1xf32, #tpu.memory_space<vmem>>, %arg3: memref<10112x1xf32, #tpu.memory_space<vmem>>, %arg4: memref<10112x16xf32, #tpu.memory_space<vmem>>) attributes {dimension_semantics = [], scalar_prefetch = 0 : i64, scratch_operands = 0 : i64, tpu.core_type = #tpu.core_type<tc>} {
    %get3A = arith.constant 0 : index
    %get3A_0 = arith.constant 0 : index
    %get3A_1 = vector.load %arg0[%get3A, %get3A_0] : memref<10112x128xf32, #tpu.memory_space<vmem>>, vector<10112x128xf32>
    %get3A_2 = arith.constant 0 : index
    %get3A_3 = arith.constant 0 : index
    %get3A_4 = vector.load %arg1[%get3A_2, %get3A_3] : memref<128x16xf32, #tpu.memory_space<vmem>>, vector<128x16xf32>
    %dot_general3A = arith.constant dense<0.000000e+00> : vector<10112x16xf32>
    %dot_general3A_5 = tpu.matmul %get3A_1, %get3A_4, %dot_general3A {dimension_numbers = #tpu.dot_dimension_numbers<[1], [0], [0], [1], [0, 0, 1, 1], [], []>, transpose_lhs_hint = false} : vector<10112x128xf32>, vector<128x16xf32>, vector<10112x16xf32> -> vector<10112x16xf32>
    %get3A_6 = arith.constant 0 : index
    %get3A_7 = arith.constant 0 : index
    %get3A_8 = vector.load %arg2[%get3A_6, %get3A_7] : memref<10112x1xf32, #tpu.memory_space<vmem>>, vector<10112x1xf32>
    %get3A_9 = arith.constant 0 : index
    %get3A_10 = arith.constant 0 : index
    %get3A_11 = vector.load %arg3[%get3A_9, %get3A_10] : memref<10112x1xf32, #tpu.memory_space<vmem>>, vector<10112x1xf32>
    %add3A = arith.addf %get3A_8, %get3A_11 : vector<10112x1xf32>
    %add3A_12 = arith.constant 1.000000e+00 : f32
    %add3A_13 = vector.broadcast %add3A_12 : f32 to vector<10112x1xf32>
    %add3A_14 = arith.addf %add3A, %add3A_13 : vector<10112x1xf32>
    %rsqrt3A = math.rsqrt %add3A_14 : vector<10112x1xf32>
    %mul3A = vector.broadcast %rsqrt3A : vector<10112x1xf32> to vector<10112x16xf32>
    %mul3A_15 = arith.mulf %dot_general3A_5, %mul3A : vector<10112x16xf32>
    %swap3A = arith.constant 0 : index
    %swap3A_16 = arith.constant 0 : index
    %swap3A_17 = vector.load %arg4[%swap3A, %swap3A_16] : memref<10112x16xf32, #tpu.memory_space<vmem>>, vector<10112x16xf32>
    tpu.vector_store %arg4[%swap3A, %swap3A_16], %mul3A_15 {strides = array<i32>} : memref<10112x16xf32, #tpu.memory_space<vmem>>, vector<10112x16xf32>,
    return
  }
}

module attributes {stable_mosaic.version = 14 : i64} {
  func.func @_tc_b_body(%arg0: memref<10112x16xf32, #tpu.memory_space<vmem>>, %arg1: memref<10112x16xf32, #tpu.memory_space<vmem>>, %arg2: memref<10112x16xf32, #tpu.memory_space<vmem>>, %arg3: memref<10112x1xf32, #tpu.memory_space<vmem>>, %arg4: memref<10112x1xf32, #tpu.memory_space<vmem>>, %arg5: memref<1x16xf32, #tpu.memory_space<vmem>>, %arg6: memref<1x16xf32, #tpu.memory_space<vmem>>, %arg7: memref<1x16xf32, #tpu.memory_space<vmem>>, %arg8: memref<16x16xf32, #tpu.memory_space<vmem>>, %arg9: memref<10112x16xf32, #tpu.memory_space<vmem>>) attributes {dimension_semantics = [], scalar_prefetch = 0 : i64, scratch_operands = 0 : i64, tpu.core_type = #tpu.core_type<tc>} {
    %get3A = arith.constant 0 : index
    %get3A_0 = arith.constant 0 : index
    %get3A_1 = vector.load %arg3[%get3A, %get3A_0] : memref<10112x1xf32, #tpu.memory_space<vmem>>, vector<10112x1xf32>
    %get3A_2 = arith.constant 0 : index
    %get3A_3 = arith.constant 0 : index
    %get3A_4 = vector.load %arg4[%get3A_2, %get3A_3] : memref<10112x1xf32, #tpu.memory_space<vmem>>, vector<10112x1xf32>
    %add3A = arith.addf %get3A_1, %get3A_4 : vector<10112x1xf32>
    %add3A_5 = arith.constant 1.000000e+00 : f32
    %add3A_6 = vector.broadcast %add3A_5 : f32 to vector<10112x1xf32>
    %add3A_7 = arith.addf %add3A, %add3A_6 : vector<10112x1xf32>
    %rsqrt3A = math.rsqrt %add3A_7 : vector<10112x1xf32>
    %get3A_8 = arith.constant 0 : index
    %get3A_9 = arith.constant 0 : index
    %get3A_10 = vector.load %arg0[%get3A_8, %get3A_9] : memref<10112x16xf32, #tpu.memory_space<vmem>>, vector<10112x16xf32>
    %get3A_11 = arith.constant 0 : index
    %get3A_12 = arith.constant 0 : index
    %get3A_13 = vector.load %arg1[%get3A_11, %get3A_12] : memref<10112x16xf32, #tpu.memory_space<vmem>>, vector<10112x16xf32>
    %add3A_14 = arith.addf %get3A_10, %get3A_13 : vector<10112x16xf32>
    %get3A_15 = arith.constant 0 : index
    %get3A_16 = arith.constant 0 : index
    %get3A_17 = vector.load %arg2[%get3A_15, %get3A_16] : memref<10112x16xf32, #tpu.memory_space<vmem>>, vector<10112x16xf32>
    %add3A_18 = arith.addf %add3A_14, %get3A_17 : vector<10112x16xf32>
    %mul3A = vector.broadcast %rsqrt3A : vector<10112x1xf32> to vector<10112x16xf32>
    %mul3A_19 = arith.mulf %mul3A, %add3A_18 : vector<10112x16xf32>
    %get3A_20 = arith.constant 0 : index
    %get3A_21 = arith.constant 0 : index
    %get3A_22 = vector.load %arg7[%get3A_20, %get3A_21] : memref<1x16xf32, #tpu.memory_space<vmem>>, vector<1x16xf32>
    %add3A_23 = vector.broadcast %get3A_22 : vector<1x16xf32> to vector<10112x16xf32>
    %add3A_24 = arith.addf %mul3A_19, %add3A_23 : vector<10112x16xf32>
    %iota3A = tpu.iota {dimensions = array<i32: 0>} : vector<10112x16xi32>
    %lt3A = arith.constant 10000 : i32
    %lt3A_25 = vector.broadcast %lt3A : i32 to vector<10112x16xi32>
    %lt3A_26 = arith.cmpi slt, %iota3A, %lt3A_25 : vector<10112x16xi32>
    %jit3A = arith.constant 0.000000e+00 : f32
    %broadcast_in_dim3A = vector.broadcast %jit3A : f32 to vector<10112x16xf32>
    %select_n3A = arith.select %lt3A_26, %add3A_24, %broadcast_in_dim3A : vector<10112x16xi1>, vector<10112x16xf32>
    %reduce_sum3A = arith.constant dense<0.000000e+00> : vector<16xf32>
    %reduce_sum3A_27 = vector.multi_reduction <add>, %select_n3A, %reduce_sum3A [0] : vector<10112x16xf32> to vector<16xf32>
    %broadcast_in_dim3A_28 = vector.shape_cast %reduce_sum3A_27 : vector<16xf32> to vector<1x16xf32>
    %mul3A_29 = arith.constant 9.99999974E-5 : f32
    %mul3A_30 = vector.broadcast %mul3A_29 : f32 to vector<1x16xf32>
    %mul3A_31 = arith.mulf %broadcast_in_dim3A_28, %mul3A_30 : vector<1x16xf32>
    %mul3A_32 = arith.mulf %select_n3A, %select_n3A : vector<10112x16xf32>
    %reduce_sum3A_33 = arith.constant dense<0.000000e+00> : vector<16xf32>
    %reduce_sum3A_34 = vector.multi_reduction <add>, %mul3A_32, %reduce_sum3A_33 [0] : vector<10112x16xf32> to vector<16xf32>
    %broadcast_in_dim3A_35 = vector.shape_cast %reduce_sum3A_34 : vector<16xf32> to vector<1x16xf32>
    %mul3A_36 = arith.constant 9.99999974E-5 : f32
    %mul3A_37 = vector.broadcast %mul3A_36 : f32 to vector<1x16xf32>
    %mul3A_38 = arith.mulf %broadcast_in_dim3A_35, %mul3A_37 : vector<1x16xf32>
    %mul3A_39 = arith.mulf %mul3A_31, %mul3A_31 : vector<1x16xf32>
    %sub3A = arith.subf %mul3A_38, %mul3A_39 : vector<1x16xf32>
    %get3A_40 = arith.constant 0 : index
    %get3A_41 = arith.constant 0 : index
    %get3A_42 = vector.load %arg5[%get3A_40, %get3A_41] : memref<1x16xf32, #tpu.memory_space<vmem>>, vector<1x16xf32>
    %sub3A_43 = vector.broadcast %mul3A_31 : vector<1x16xf32> to vector<10112x16xf32>
    %sub3A_44 = arith.subf %add3A_24, %sub3A_43 : vector<10112x16xf32>
    %mul3A_45 = vector.broadcast %get3A_42 : vector<1x16xf32> to vector<10112x16xf32>
    %mul3A_46 = arith.mulf %mul3A_45, %sub3A_44 : vector<10112x16xf32>
    %add3A_47 = arith.constant 9.99999974E-6 : f32
    %add3A_48 = vector.broadcast %add3A_47 : f32 to vector<1x16xf32>
    %add3A_49 = arith.addf %sub3A, %add3A_48 : vector<1x16xf32>
    %rsqrt3A_50 = math.rsqrt %add3A_49 : vector<1x16xf32>
    %mul3A_51 = vector.broadcast %rsqrt3A_50 : vector<1x16xf32> to vector<10112x16xf32>
    %mul3A_52 = arith.mulf %mul3A_46, %mul3A_51 : vector<10112x16xf32>
    %get3A_53 = arith.constant 0 : index
    %get3A_54 = arith.constant 0 : index
    %get3A_55 = vector.load %arg6[%get3A_53, %get3A_54] : memref<1x16xf32, #tpu.memory_space<vmem>>, vector<1x16xf32>
    %add3A_56 = vector.broadcast %get3A_55 : vector<1x16xf32> to vector<10112x16xf32>
    %add3A_57 = arith.addf %mul3A_52, %add3A_56 : vector<10112x16xf32>
    %max3A = arith.constant 0.000000e+00 : f32
    %max3A_58 = vector.broadcast %max3A : f32 to vector<10112x16xf32>
    %max3A_59 = arith.maximumf %add3A_57, %max3A_58 : vector<10112x16xf32>
    %get3A_60 = arith.constant 0 : index
    %get3A_61 = arith.constant 0 : index
    %get3A_62 = vector.load %arg8[%get3A_60, %get3A_61] : memref<16x16xf32, #tpu.memory_space<vmem>>, vector<16x16xf32>
    %dot_general3A = arith.constant dense<0.000000e+00> : vector<10112x16xf32>
    %dot_general3A_63 = tpu.matmul %max3A_59, %get3A_62, %dot_general3A {dimension_numbers = #tpu.dot_dimension_numbers<[1], [0], [0], [1], [0, 0, 1, 1], [], []>, transpose_lhs_hint = false} : vector<10112x16xf32>, vector<16x16xf32>, vector<10112x16xf32> -> vector<10112x16xf32>
    %mul3A_64 = vector.broadcast %rsqrt3A : vector<10112x1xf32> to vector<10112x16xf32>
    %mul3A_65 = arith.mulf %dot_general3A_63, %mul3A_64 : vector<10112x16xf32>
    %jit3A_66 = arith.constant 0.000000e+00 : f32
    %broadcast_in_dim3A_67 = vector.broadcast %jit3A_66 : f32 to vector<10112x16xf32>
    %select_n3A_68 = arith.select %lt3A_26, %mul3A_65, %broadcast_in_dim3A_67 : vector<10112x16xi1>, vector<10112x16xf32>
    %swap3A = arith.constant 0 : index
    %swap3A_69 = arith.constant 0 : index
    %swap3A_70 = vector.load %arg9[%swap3A, %swap3A_69] : memref<10112x16xf32, #tpu.memory_space<vmem>>, vector<10112x16xf32>
    tpu.vector_store %arg9[%swap3A, %swap3A_69], %select_n3A_68 {strides = array<i32>} : memref<10112x16xf32, #tpu.memory_space<vmem>>, vector<10112x16xf32>,
    return
  }
}

module attributes {stable_mosaic.version = 14 : i64} {
  func.func @_tc_c_body(%arg0: memref<10112x16xf32, #tpu.memory_space<vmem>>, %arg1: memref<10112x16xf32, #tpu.memory_space<vmem>>, %arg2: memref<10112x16xf32, #tpu.memory_space<vmem>>, %arg3: memref<10112x1xf32, #tpu.memory_space<vmem>>, %arg4: memref<10112x1xf32, #tpu.memory_space<vmem>>, %arg5: memref<1x16xf32, #tpu.memory_space<vmem>>, %arg6: memref<10112x16xf32, #tpu.memory_space<vmem>>) attributes {dimension_semantics = [], scalar_prefetch = 0 : i64, scratch_operands = 0 : i64, tpu.core_type = #tpu.core_type<tc>} {
    %get3A = arith.constant 0 : index
    %get3A_0 = arith.constant 0 : index
    %get3A_1 = vector.load %arg3[%get3A, %get3A_0] : memref<10112x1xf32, #tpu.memory_space<vmem>>, vector<10112x1xf32>
    %get3A_2 = arith.constant 0 : index
    %get3A_3 = arith.constant 0 : index
    %get3A_4 = vector.load %arg4[%get3A_2, %get3A_3] : memref<10112x1xf32, #tpu.memory_space<vmem>>, vector<10112x1xf32>
    %add3A = arith.addf %get3A_1, %get3A_4 : vector<10112x1xf32>
    %add3A_5 = arith.constant 1.000000e+00 : f32
    %add3A_6 = vector.broadcast %add3A_5 : f32 to vector<10112x1xf32>
    %add3A_7 = arith.addf %add3A, %add3A_6 : vector<10112x1xf32>
    %rsqrt3A = math.rsqrt %add3A_7 : vector<10112x1xf32>
    %get3A_8 = arith.constant 0 : index
    %get3A_9 = arith.constant 0 : index
    %get3A_10 = vector.load %arg0[%get3A_8, %get3A_9] : memref<10112x16xf32, #tpu.memory_space<vmem>>, vector<10112x16xf32>
    %get3A_11 = arith.constant 0 : index
    %get3A_12 = arith.constant 0 : index
    %get3A_13 = vector.load %arg1[%get3A_11, %get3A_12] : memref<10112x16xf32, #tpu.memory_space<vmem>>, vector<10112x16xf32>
    %add3A_14 = arith.addf %get3A_10, %get3A_13 : vector<10112x16xf32>
    %get3A_15 = arith.constant 0 : index
    %get3A_16 = arith.constant 0 : index
    %get3A_17 = vector.load %arg2[%get3A_15, %get3A_16] : memref<10112x16xf32, #tpu.memory_space<vmem>>, vector<10112x16xf32>
    %add3A_18 = arith.addf %add3A_14, %get3A_17 : vector<10112x16xf32>
    %mul3A = vector.broadcast %rsqrt3A : vector<10112x1xf32> to vector<10112x16xf32>
    %mul3A_19 = arith.mulf %mul3A, %add3A_18 : vector<10112x16xf32>
    %get3A_20 = arith.constant 0 : index
    %get3A_21 = arith.constant 0 : index
    %get3A_22 = vector.load %arg5[%get3A_20, %get3A_21] : memref<1x16xf32, #tpu.memory_space<vmem>>, vector<1x16xf32>
    %add3A_23 = vector.broadcast %get3A_22 : vector<1x16xf32> to vector<10112x16xf32>
    %add3A_24 = arith.addf %mul3A_19, %add3A_23 : vector<10112x16xf32>
    %iota3A = tpu.iota {dimensions = array<i32: 1>} : vector<10112x16xi32>
    %lt3A = arith.constant 10 : i32
    %lt3A_25 = vector.broadcast %lt3A : i32 to vector<10112x16xi32>
    %lt3A_26 = arith.cmpi slt, %iota3A, %lt3A_25 : vector<10112x16xi32>
    %jit3A = arith.constant -1.000000e+30 : f32
    %broadcast_in_dim3A = vector.broadcast %jit3A : f32 to vector<10112x16xf32>
    %select_n3A = arith.select %lt3A_26, %add3A_24, %broadcast_in_dim3A : vector<10112x16xi1>, vector<10112x16xf32>
    %reduce_max3A = arith.constant dense<0xFF800000> : vector<10112xf32>
    %reduce_max3A_27 = vector.multi_reduction <maximumf>, %select_n3A, %reduce_max3A [1] : vector<10112x16xf32> to vector<10112xf32>
    %broadcast_in_dim3A_28 = vector.shape_cast %reduce_max3A_27 : vector<10112xf32> to vector<10112x1xf32>
    %sub3A = vector.broadcast %broadcast_in_dim3A_28 : vector<10112x1xf32> to vector<10112x16xf32>
    %sub3A_29 = arith.subf %select_n3A, %sub3A : vector<10112x16xf32>
    %exp3A = math.exp %sub3A_29 : vector<10112x16xf32>
    %reduce_sum3A = arith.constant dense<0.000000e+00> : vector<10112xf32>
    %reduce_sum3A_30 = vector.multi_reduction <add>, %exp3A, %reduce_sum3A [1] : vector<10112x16xf32> to vector<10112xf32>
    %broadcast_in_dim3A_31 = vector.shape_cast %reduce_sum3A_30 : vector<10112xf32> to vector<10112x1xf32>
    %log3A = math.log %broadcast_in_dim3A_31 : vector<10112x1xf32>
    %add3A_32 = arith.addf %log3A, %broadcast_in_dim3A_28 : vector<10112x1xf32>
    %sub3A_33 = vector.broadcast %add3A_32 : vector<10112x1xf32> to vector<10112x16xf32>
    %sub3A_34 = arith.subf %select_n3A, %sub3A_33 : vector<10112x16xf32>
    %swap3A = arith.constant 0 : index
    %swap3A_35 = arith.constant 0 : index
    %swap3A_36 = vector.load %arg6[%swap3A, %swap3A_35] : memref<10112x16xf32, #tpu.memory_space<vmem>>, vector<10112x16xf32>
    tpu.vector_store %arg6[%swap3A, %swap3A_35], %sub3A_34 {strides = array<i32>} : memref<10112x16xf32, #tpu.memory_space<vmem>>, vector<10112x16xf32>,
    return
  }
}

</mosaic_0001>

<sc_bundles>
// kernel: kernel.11.cloned.1.call-start
scs
__scs_entry_jumppad:
0x0: {  	(pc) =	sbr.rel $0x88, $3  }
0x1: {  	(tag) =	ssettag $0x0;
	lr =	simm.s32 $0x1  }
0x2: {  	[smem:$0x3F99] =	sst lr;
	_ =	strace $0xD0000000  }
0x3: {  	_ = 	snop  }
0x4: {  	_ = 	snop  }
0x5: {  	_ = 	snop  }
0x6: {  	_ = 	snop  }
0x7: {  	_ = 	snop  }
__scs_overlays_trampoline_lowered:
0x8: {  	[smem:$0x3FA8] =	sst s0  }
0x9: {  	[smem:$0x3FA9] =	sst s1  }
0xa: {  	[smem:$0x3FAA] =	sst s2  }
0xb: {  	[smem:$0x3FAB] =	sst s3  }
0xc: {  	[smem:$0x3FAC] =	sst s4  }
0xd: {  	[smem:$0x3FAD] =	sst s5  }
0xe: {  	[smem:$0x3FAE] =	sst s6  }
0xf: {  	[smem:$0x3FAF] =	sst s7  }
0x10: {  	[smem:$0x3FB0] =	sst s8  }
0x11: {  	[smem:$0x3FB1] =	sst s9;
	s0 =	simm.s32 @!p0 $0x0  }
0x12: {  	s1 =	sld [smem:$0x3F97];
	s0 =	simm.s32 @p0 $0x1  }
0x13: {  	[smem:$0x3FB2] =	sst s0;
	s0 =	simm.s32 @!p1 $0x0  }
0x14: {  	s2 =	sld [smem:$0x3F96];
	s0 =	simm.s32 @p1 $0x1  }
0x15: {  	[smem:$0x3FB3] =	sst s0;
	s0 =	simm.s32 @!p2 $0x0  }
0x16: {  	s3 =	sld [smem:$0x3FDB];
	s0 =	simm.s32 @p2 $0x1  }
0x17: {  	s4 =	simm.s32 $0x1BF5;
	[smem:$0x3FB5] =	sst s0  }
0x18: {  	s0 =	sld [smem:$0x3F98];
	_ =	swait.ge [sflag:s4], $0x0  }
0x19: {  	s7 =	sld [smem:$0x3F99]  }
0x1a: {  	s8 =	sadd.s32 $0xFFFFE003, lr  }
0x1b: {  	s9 =	sadd.s32 $0xFFFFFEF7, lr;
	s5 =	simm.s32 $0xFFFFFFFF;
	p2 =	slt.u32 s8, $0xFFFFF086  }
0x1c: {  	p1 =	slt.u32 s9, $0xF7A;
	s5 =	simm.s32 @!p2 $0x0  }
0x1d: {  	s5 =	simm.s32 @p1 $0x1;
	p0 =	seq.s32 s7, s2  }
0x1e: {  	s7 =	smul.u32 @!p0 $0xF7A, s2;
	p2 =	seq.s32 @!p0 s5, $0x0  }
0x1f: {  	s9 =	smul.u32 $0xF7A, s1;
	s8 =	simm.s32 @!p0 $0x1BF5;
	p2 =	por !p2, p0  }
0x20: {  	[sflag:s8] =	ssyncset.s32 @!p0 $0xFFFFF086;
	s6 =	sadd.s32 @!p0 s3, s7;
	s7 =	simm.s32 @!p0 $0x108  }
0x21: {  	s3 =	sadd.s32 s3, s9;
	s6 =	sadd.s32 @!p0 $0x88, s6;
	s7 =	simm.s32 @p2 $0x1082  }
0x22: {  	[simem:s7], [sflag:s8] =	dma.local @!p0 [hbm:s6], $0xF7A  }
0x23: {  	s9 =	sor.u32 $0xD0000000, s2;
	s6 =	simm.s32 $0x108;
	_ =	swait.ge @!p0 [sflag:s8], $0x0  }
0x24: {  	s3 =	sadd.s32 $0x88, s3;
	s6 =	simm.s32 @!p1 $0x1082;
	[sflag:s4] =	ssyncset.s32 $0xFFFFF086  }
0x25: {  	[simem:s6], [sflag:s4] =	dma.local [hbm:s3], $0xF7A  }
0x26: {  	[smem:$0x3F99] =	sst s1;
	(tag) =	ssettag s2;
	_ =	strace s9  }
0x27: {  	s1 =	sld [smem:$0x3FA9]  }
0x28: {  	s2 =	sld [smem:$0x3FAA]  }
0x29: {  	s4 =	sld [smem:$0x3FAC]  }
0x2a: {  	p0 =	seq.s32 s5, $0x0;
	s5 =	sld [smem:$0x3FAD]  }
0x2b: {  	s6 =	sld [smem:$0x3FAE]  }
0x2c: {  	s7 =	sld [smem:$0x3FAF]  }
0x2d: {  	s3 =	simm.s32 $0x108;
	s8 =	sld [smem:$0x3FB0]  }
0x2e: {  	s3 =	simm.s32 @!p0 $0x1082;
	s9 =	sld [smem:$0x3FB1]  }
0x2f: {  	lr =	sadd.s32 s0, s3;
	s0 =	sld [smem:$0x3FA8]  }
0x30: {  	s3 =	sld [smem:$0x3FAB]  }
0x31: {  	[smem:$0x3FB4] =	sst s10  }
0x32: {  	s10 =	sld [smem:$0x3FB2];
	_ =	sdelay $0x3  }
0x33: {  	p0 =	seq.s32 s10, $0x1;
	s10 =	sld [smem:$0x3FB4];
	_ =	sdelay $0x3  }
0x34: {  	[smem:$0x3FB4] =	sst s10  }
0x35: {  	s10 =	sld [smem:$0x3FB3];
	_ =	sdelay $0x3  }
0x36: {  	p1 =	seq.s32 s10, $0x1;
	s10 =	sld [smem:$0x3FB4];
	_ =	sdelay $0x3  }
0x37: {  	[smem:$0x3FB4] =	sst s10  }
0x38: {  	s10 =	sld [smem:$0x3FB5]  }
0x39: {  	_ = 	snop;
	(pc) =	sbr.ind lr, $3  }
0x3a: {  	_ = 	snop  }
0x3b: {  	_ = 	snop  }
0x3c: {  	p2 =	seq.s32 s10, $0x1;
	s10 =	sld [smem:$0x3FB4]  }
0x3d: {  	_ =	shalt  }
0x3e: {  	_ =	shalt  }
0x3f: {  	_ =	shalt  }
0x40: {  	_ =	shalt  }
0x41: {  	_ =	shalt  }
0x42: {  	_ =	shalt  }
0x43: {  	_ =	shalt  }
0x44: {  	_ =	shalt  }
0x45: {  	_ =	shalt  }
0x46: {  	_ =	shalt  }
0x47: {  	_ =	shalt  }
0x48: {  	_ =	shalt  }
0x49: {  	_ =	shalt  }
0x4a: {  	_ =	shalt  }
0x4b: {  	_ =	shalt  }
0x4c: {  	_ =	shalt  }
0x4d: {  	_ =	shalt  }
0x4e: {  	_ =	shalt  }
0x4f: {  	_ =	shalt  }
0x50: {  	_ =	shalt  }
0x51: {  	_ =	shalt  }
0x52: {  	_ =	shalt  }
0x53: {  	_ =	shalt  }
0x54: {  	_ =	shalt  }
0x55: {  	_ =	shalt  }
0x56: {  	_ =	shalt  }
0x57: {  	_ =	shalt  }
0x58: {  	_ =	shalt  }
0x59: {  	_ =	shalt  }
0x5a: {  	_ =	shalt  }
0x5b: {  	_ =	shalt  }
0x5c: {  	_ =	shalt  }
0x5d: {  	_ =	shalt  }
0x5e: {  	_ =	shalt  }
0x5f: {  	_ =	shalt  }
0x60: {  	_ =	shalt  }
0x61: {  	_ =	shalt  }
0x62: {  	_ =	shalt  }
0x63: {  	_ =	shalt  }
0x64: {  	_ =	shalt  }
0x65: {  	_ =	shalt  }
0x66: {  	_ =	shalt  }
0x67: {  	_ =	shalt  }
0x68: {  	_ =	shalt  }
0x69: {  	_ =	shalt  }
0x6a: {  	_ =	shalt  }
0x6b: {  	_ =	shalt  }
0x6c: {  	_ =	shalt  }
0x6d: {  	_ =	shalt  }
0x6e: {  	_ =	shalt  }
0x6f: {  	_ =	shalt  }
0x70: {  	_ =	shalt  }
0x71: {  	_ =	shalt  }
0x72: {  	_ =	shalt  }
0x73: {  	_ =	shalt  }
0x74: {  	_ =	shalt  }
0x75: {  	_ =	shalt  }
0x76: {  	_ =	shalt  }
0x77: {  	_ =	shalt  }
0x78: {  	_ =	shalt  }
0x79: {  	_ =	shalt  }
0x7a: {  	_ =	shalt  }
0x7b: {  	_ =	shalt  }
0x7c: {  	_ =	shalt  }
0x7d: {  	_ =	shalt  }
0x7e: {  	_ =	shalt  }
0x7f: {  	_ =	shalt  }
0x80: {  	_ =	shalt  }
0x81: {  	_ =	shalt  }
0x82: {  	_ =	shalt  }
0x83: {  	_ =	shalt  }
0x84: {  	_ =	shalt  }
0x85: {  	_ =	shalt  }
0x86: {  	_ =	shalt  }
0x87: {  	_ =	shalt  }
.Lfunc_end0:
.L_simem_size_0:
called_computation.1_lowered:
.L_overlay_start_0:
0x88: {  	s2 =	sld [smem:$0x3FD9]  }
0x89: {  	s3 =	sld [smem:$0x3FFE];
	_ =	sdelay $0x1  }
0x8a: {  	s1 =	srdreg.scid  }
0x8b: {  	s0 =	sand.u32 $0x1, s1  }
0x8c: {  	s17 =	sshll.u32 s0, $0xA;
	s2 =	sadd.s32 s3, s2  }
0x8d: {  	s2 =	sadd.s32 s2, s17  }
0x8e: {  	[smem:$0x3FC0] =	sst s2  }
0x8f: {  	_ = 	snop  }
0x90: {  	s2 =	sld [smem:$0x3FD0];
	(tm) =	ssettm $0x1  }
0x91: {  	s18 =	sld [smem:$0x3FFB];
	_ =	sdelay $0x3  }
0x92: {  	_ =	strace s18  }
0x93: {  	s3 =	sld [smem:$0x3FFC];
	_ =	sdelay $0x3  }
0x94: {  	_ =	strace s3  }
0x95: {  	s3 =	sld [smem:$0x3FFD];
	_ =	sdelay $0x3  }
0x96: {  	_ =	strace s3  }
0x97: {  	_ =	strace $0x8FFFFFFF  }
0x98: {  	s19 =	sld [smem:$0x3FDB];
	_ =	sdelay $0x1  }
0x99: {  	s4 =	simm.s32 $_scs_section_size  }
0x9a: {  	s5 =	simm.s32 $_size__tile_overlayer_lowered;
	s6 =	simm.s32 $_tile_overlayer_lowered  }
0x9b: {  	s22 =	simm.s32 $0x1BFF;
	s21 =	sshll.u32 s6, $0x1;
	s3 =	sadd.s32 s4, s19  }
0x9c: {  	s7 =	simm.s32 $0x0;
	s20 =	sshll.u32 s5, $0x1;
	s5 =	sadd.s32 s21, s3  }
0x9d: {  	[timem:s7], [sflag:s22] =	dma.local [hbm:s5], s20  }
0x9e: {  	_ =	swait.ge [sflag:s22], s20  }
0x9f: {  	s4 =	ssub.s32 $0x0, s20;
	[sflag:s22] =	ssyncset.done $0x0  }
0xa0: {  	[sflag:s22] =	ssyncadd.s32 s4;
	_ =	sdelay $0x1  }
0xa1: {  	s23 =	simm.s32 $0x1B8B  }
0xa2: {  	_ =	swait.ge [sflag:s23], $0x1  }
0xa3: {  	[sflag:s23] =	ssyncset.done $0x0  }
0xa4: {  	s25 =	simm.s32 $0x1B8E;
	s24 =	sld [smem:$0x3FFE];
	[sflag:s23] =	ssyncadd.s32 $0xFFFFFFFF  }
0xa5: {  	s26 =	simm.s32 $execute0_lowered;
	[smem:$0x3FD2] =	sst s25  }
0xa6: {  	s5 =	sshll.u32 s26, $0x1;
	_ =	strace $0x80000049;
	[dreg:$0x1] =	wrdreg $0xFFFFFFFF  }
0xa7: {  	s28 =	simm.s32 $_size_execute0_lowered;
	s3 =	sadd.s32 s3, s5;
	[dreg:$0x0] =	wrdreg $0x0  }
0xa8: {  	s5 =	sshll.u32 s28, $0x1;
	[dreg:$0x2] =	wrdreg s3  }
0xa9: {  	[dreg:$0x3] =	wrdreg s5  }
0xaa: {  	[dreg:$0x4] =	wrdreg $0xC0  }
0xab: {  	_ =	task [dreg:s7], $0x5FFFF  }
0xac: {  	[dreg:$0x1] =	wrdreg $0xFFFFFFFF  }
0xad: {  	[dreg:$0x0] =	wrdreg $0x60  }
0xae: {  	[dreg:$0x2] =	wrdreg s2  }
0xaf: {  	[dreg:$0x3] =	wrdreg s24  }
0xb0: {  	[dreg:$0x4] =	wrdreg $0x7F800  }
0xb1: {  	[dreg:$0x5] =	wrdreg $0x9  }
0xb2: {  	_ =	task.clear_ibuf [dreg:s7], $0x6FFFF;
	_ =	strace $0x90000049  }
0xb3: {  	s29 =	simm.s32 $0x9;
	_ =	strace $0x8000004B  }
0xb4: {  	_ =	swait.ge [sflag:s29], $0x1  }
0xb5: {  	[sflag:s29] =	ssyncadd.s32 $0xFFFFFFFF  }
0xb6: {  	_ =	strace $0x9000004B  }
0xb7: {  	_ =	sfence  }
0xb8: {  	s30 =	sld [smem:$0x0];
	_ =	sdelay $0x2  }
0xb9: {  	s31 =	sshll.u32 s1, $0xD;
	s1 =	sshrl.u32 s1, $0x2  }
0xba: {  	s3 =	sand.u32 $0x4000, s31;
	s1 =	sadd.s32 s1, s30  }
0xbb: {  	s0 =	sor.u32 s3, s0;
	s1 =	sshll.u32 s1, $0x11  }
0xbc: {  	s0 =	sor.u32 s1, s0  }
0xbd: {  	s0 =	sadd.s32 $0x8F2B, s0  }
0xbe: {  	[sflag:s0] =	ssyncadd.remote.s32 $0x1  }
0xbf: {  	_ =	sfence.sel $0xFFFF  }
0xc0: {  	[dreg:$0x0] =	wrdreg $0xFFFFFFFF;
	(pc) =	sbr.abs _section_cstart, $3  }
0xc1: {  	[dreg:$0x1] =	wrdreg $0xFFFFFFFF  }
0xc2: {  	_ =	task.clear_ibuf [dreg:s7], $0x2FFFF;
	_ =	strace $0x9FFFFFFF  }
0xc3: {  	(tm) =	ssettm $0x7FFFFFFF  }
tec
execute0_lowered:
.L_overlay_start_1:
0x0: {  	(tag) =	ssettag $0x1  }
0x1: {  	s1 =	rddreg [dreg:$0x0]  }
0x2: {  	s6 =	rddreg [dreg:$0x1]  }
0x3: {  	s0 =	srdreg.scid;
	s3 =	rddreg [dreg:$0x2]  }
0x4: {  	s4 =	simm.s32 $0x0;
	s12 =	simm.s32 $0x2;
	s13 =	simm.s32 $0x2800  }
0x5: {  	s14 =	simm.s32 $0x80;
	s15 =	simm.s32 $0x5000;
	s16 =	simm.s32 $0x1  }
0x6: {  	s17 =	simm.s32 $0x0;
	s5 =	sand.u32 $0x1, s0;
	s0 =	stileid.u32  }
0x7: {  	[smem:$0x7FF] =	sst s4;
	s2 =	sshll.u32 s5, $0x4;
	s8 =	smul.u32 $0x2780, s0  }
0x8: {  	s9 =	smul.u32 $0x27800, s5;
	s5 =	ssub.s32 $0x2, s5;
	s2 =	sor.u32 s0, s2  }
0x9: {  	s11 =	sshrl.u32 s5, $0x1;
	s7 =	smul.u32 $0x500, s2;
	s2 =	rddreg [dreg:$0x3]  }
0xa: {  	_ =	strace $0x8000004A;
	s31 =	sshrl.u32 s8, $0x3;
	s9 =	sadd.s32 s8, s9  }
0xb: {  	s11 =	ssub.s32 s5, s11;
	s9 =	sshrl.u32 s9, $0x3;
	s10 =	sadd.s32 s7, s6  }
0xc: {  	s7 =	sadd.s32 s31, s6;
	s9 =	sadd.s32 s9, s6;
	s6 =	sadd.s32 s8, s3  }
0xd: {  	s5 =	sadd.s32 $0x3200, s7;
	s7 =	sadd.s32 $0x17E00, s10;
	s8 =	sadd.s32 $0xD200, s10  }
0xe: {  	s9 =	sadd.s32 $0x98600, s9;
	s10 =	smax.u32 s11, $0x1;
	s11 =	simm.s32 $0x5800  }
.LBB2_1:
0xf: {  	[tilespmem:s11], [sflag:$0x2] =	stream.linear.gather [hbm4b:s5+s4], $0x2780, $0x38;
	[tilespmem:$0xA700] =	vst v63  }
0x10: {  	_ =	swait.ge [sflag:s12], $0x2780  }
0x11: {  	[sflag:s12] =	ssyncset.done $0x0  }
0x12: {  	[sflag:s12] =	ssyncadd.s32 $0xFFFFD880  }
0x13: {  	[spmem:s6] =	stream.linear.scatter [tilespmem:s11], [sflag:$0x2], $0x2780, $0x38;
	[tilespmem:$0xA700] =	vst v63  }
0x14: {  	_ =	swait.ge [sflag:s12], $0x2780  }
0x15: {  	[sflag:s12] =	ssyncset.done $0x0  }
0x16: {  	[sflag:s12] =	ssyncadd.s32 $0xFFFFD880  }
0x17: {  	[tilespmem:s4], [sflag:$0x2] =	stream.linear.gather [hbm4b:s7+s4], $0x2800, $0x38;
	[tilespmem:$0xA700] =	vst v63  }
0x18: {  	_ =	swait.ge [sflag:s12], $0x2800  }
0x19: {  	[sflag:s12] =	ssyncset.done $0x0  }
0x1a: {  	[sflag:s12] =	ssyncadd.s32 $0xFFFFD800  }
0x1b: {  	[tilespmem:s13], [sflag:$0x2] =	stream.linear.gather [hbm4b:s8+s4], $0x2800, $0x38;
	[tilespmem:$0xA700] =	vst v63  }
0x1c: {  	_ =	swait.ge [sflag:s12], $0x2800  }
0x1d: {  	[sflag:s12] =	ssyncset.done $0x0  }
0x1e: {  	[sflag:s12] =	ssyncadd.s32 $0xFFFFD800  }
0x1f: {  	s18 =	simm.s32 $0x0;
	[bflag:$0x0] =	sbarrier.arrive $0xFFFF  }
0x20: {  	[tilespmem:s15], [sflag:$0x1] =	stream.indirect.gather [hbm4b:s1+s14], $0x10, s18, s14, $0xb8;
	[tilespmem:$0xA700] =	vst v63  }
0x21: {  	_ =	swait.ge [sflag:s16], $0x800  }
0x22: {  	[sflag:s16] =	ssyncset.done $0x0  }
0x23: {  	s31 =	simm.s32 $0x2800;
	[sflag:s16] =	ssyncadd.s32 $0xFFFFF800  }
0x24: {  	[spmem:s3] =	stream.indirect.scatter.add.f32 [tilespmem:s15], [sflag:$0x2], $0x10, s31, s14, $0xb8;
	[tilespmem:$0xA700] =	vst v63  }
0x25: {  	_ =	swait.ge [sflag:s12], $0x800  }
0x26: {  	s19 =	simm.s32 $0x400;
	s18 =	simm.s32 $0x200;
	[sflag:s12] =	ssyncset.done $0x0  }
.LBB2_2:
0x27: {  	s20 =	sshra.s32 s18, $0x2  }
0x28: {  	[sflag:s12] =	ssyncadd.s32 $0xFFFFF800;
	s18 =	smov.u32 s19;
	s21 =	sadd.s32 $0x200, s19  }
0x29: {  	[tilespmem:s15], [sflag:$0x1] =	stream.indirect.gather [hbm4b:s1+s14], $0x10, s20, s14, $0xb8;
	[tilespmem:$0xA700] =	vst v63  }
0x2a: {  	p0 =	sne.s32 s19, $0x9E00;
	_ =	swait.ge [sflag:s16], $0x800  }
.Ltmp0:
0x2b: {  	[sflag:s16] =	ssyncset.done $0x0;
	(pc) =	sbr.rel @p0 .LBB2_2-.Ltmp0, $4  }
0x2c: {  	s19 =	sadd.s32 $0x2800, s20;
	[sflag:s16] =	ssyncadd.s32 $0xFFFFF800  }
0x2d: {  	[spmem:s3] =	stream.indirect.scatter.add.f32 [tilespmem:s15], [sflag:$0x2], $0x10, s19, s14, $0xb8;
	[tilespmem:$0xA700] =	vst v63  }
0x2e: {  	_ =	swait.ge [sflag:s12], $0x800  }
0x2f: {  	s19 =	smov.u32 s21;
	[sflag:s12] =	ssyncset.done $0x0  }
0x30: {  	s18 =	sshra.s32 s18, $0x2;
	[sflag:s12] =	ssyncadd.s32 $0xFFFFF800  }
0x31: {  	[tilespmem:s15], [sflag:$0x1] =	stream.indirect.gather [hbm4b:s1+s14], $0x10, s18, s14, $0xb8;
	[tilespmem:$0xA700] =	vst v63  }
0x32: {  	_ =	swait.ge [sflag:s16], $0x800  }
0x33: {  	[sflag:s16] =	ssyncset.done $0x0  }
0x34: {  	s18 =	sadd.s32 $0x2800, s18;
	[sflag:s16] =	ssyncadd.s32 $0xFFFFF800  }
0x35: {  	[spmem:s3] =	stream.indirect.scatter.add.f32 [tilespmem:s15], [sflag:$0x2], $0x10, s18, s14, $0xb8;
	[tilespmem:$0xA700] =	vst v63  }
0x36: {  	_ =	swait.ge [sflag:s12], $0x800  }
0x37: {  	[sflag:s12] =	ssyncset.done $0x0  }
0x38: {  	[sflag:s12] =	ssyncadd.s32 $0xFFFFF800  }
0x39: {  	[bflag:$0x0] =	sbarrier.arrive $0xFFFF  }
0x3a: {  	[tilespmem:s11], [sflag:$0x2] =	stream.linear.gather [spmem:s6], $0x2780, $0x38;
	[tilespmem:$0xA700] =	vst v63  }
0x3b: {  	s17 =	sadd.s32 $0x1, s17;
	_ =	swait.ge [sflag:s12], $0x2780  }
0x3c: {  	p0 =	sne.s32 s17, s10;
	[sflag:s12] =	ssyncset.done $0x0  }
.Ltmp1:
0x3d: {  	[sflag:s12] =	ssyncadd.s32 $0xFFFFD880;
	(pc) =	sbr.rel @p0 .LBB2_1-.Ltmp1, $4  }
0x3e: {  	[hbm4b:s9+s4] =	stream.linear.scatter [tilespmem:s11], [sflag:$0x2], $0x2780, $0x38;
	[tilespmem:$0xA700] =	vst v63  }
0x3f: {  	_ =	swait.ge [sflag:s12], $0x2780  }
0x40: {  	[sflag:s12] =	ssyncset.done $0x0  }
0x41: {  	[sflag:s12] =	ssyncadd.s32 $0xFFFFD880  }
0x42: {  	_ =	sfence.sel $0x180000  }
0x43: {  	[bflag:$0x0] =	sbarrier.arrive $0xFFFF  }
0x44: {  	p0 =	sne.s32 s0, $0x0;
	_ =	strace $0x9000004A  }
0x45: {  	s0 =	sadd.s32 @!p0 $0x100000, s2;
	[bflag:$0x2] =	sbarrier.arrive $0xFFFF  }
0x46: {  	[sflag:s0] =	ssyncadd.tile.s32 @!p0 $0x1;
	_ =	shalt  }
.Lfunc_end2:
_tile_overlayer_lowered:
.L_overlay_start_2:
0x47: {  	(tag) =	ssettag $0x2  }
0x48: {  	s0 =	rddreg [dreg:$0x0];
	s2 =	stileid.u32  }
0x49: {  	s1 =	rddreg [dreg:$0x1];
	p0 =	sne.s32 s2, $0x0  }
0x4a: {  	s3 =	rddreg [dreg:$0x2];
	[bflag:$0x3] =	sbarrier.arrive $0xFFFF;
	s2 =	simm.s32 @!p0 $0x1C02  }
0x4b: {  	[timem:s3], [sflag:s2] =	dma.local @!p0 [hbm:s0], s1  }
0x4c: {  	s0 =	simm.s32 @!p0 $0x2  }
0x4d: {  	_ =	swait.ge @!p0 [sflag:s0], s1  }
0x4e: {  	s1 =	ssub.s32 @!p0 $0x0, s1;
	[sflag:s0] =	ssyncset.done @!p0 $0x0  }
0x4f: {  	[sflag:s0] =	ssyncadd.s32 @!p0 s1  }
0x50: {  	[bflag:$0x3] =	sbarrier.arrive $0xFFFF  }
0x51: {  	_ =	shalt  }

// kernel: kernel.14.cloned.1.call-start
scs
__scs_entry_jumppad:
0x0: {  	(pc) =	sbr.rel $0x88, $3  }
0x1: {  	(tag) =	ssettag $0x0;
	lr =	simm.s32 $0x1  }
0x2: {  	[smem:$0x3F99] =	sst lr;
	_ =	strace $0xD0000000  }
0x3: {  	_ = 	snop  }
0x4: {  	_ = 	snop  }
0x5: {  	_ = 	snop  }
0x6: {  	_ = 	snop  }
0x7: {  	_ = 	snop  }
__scs_overlays_trampoline_lowered:
0x8: {  	[smem:$0x3FA8] =	sst s0  }
0x9: {  	[smem:$0x3FA9] =	sst s1  }
0xa: {  	[smem:$0x3FAA] =	sst s2  }
0xb: {  	[smem:$0x3FAB] =	sst s3  }
0xc: {  	[smem:$0x3FAC] =	sst s4  }
0xd: {  	[smem:$0x3FAD] =	sst s5  }
0xe: {  	[smem:$0x3FAE] =	sst s6  }
0xf: {  	[smem:$0x3FAF] =	sst s7  }
0x10: {  	[smem:$0x3FB0] =	sst s8  }
0x11: {  	[smem:$0x3FB1] =	sst s9;
	s0 =	simm.s32 @!p0 $0x0  }
0x12: {  	s1 =	sld [smem:$0x3F97];
	s0 =	simm.s32 @p0 $0x1  }
0x13: {  	[smem:$0x3FB2] =	sst s0;
	s0 =	simm.s32 @!p1 $0x0  }
0x14: {  	s2 =	sld [smem:$0x3F96];
	s0 =	simm.s32 @p1 $0x1  }
0x15: {  	[smem:$0x3FB3] =	sst s0;
	s0 =	simm.s32 @!p2 $0x0  }
0x16: {  	s3 =	sld [smem:$0x3FDB];
	s0 =	simm.s32 @p2 $0x1  }
0x17: {  	s4 =	simm.s32 $0x1BF5;
	[smem:$0x3FB5] =	sst s0  }
0x18: {  	s0 =	sld [smem:$0x3F98];
	_ =	swait.ge [sflag:s4], $0x0  }
0x19: {  	s7 =	sld [smem:$0x3F99]  }
0x1a: {  	s8 =	sadd.s32 $0xFFFFE003, lr  }
0x1b: {  	s9 =	sadd.s32 $0xFFFFFEF7, lr;
	s5 =	simm.s32 $0xFFFFFFFF;
	p2 =	slt.u32 s8, $0xFFFFF086  }
0x1c: {  	p1 =	slt.u32 s9, $0xF7A;
	s5 =	simm.s32 @!p2 $0x0  }
0x1d: {  	s5 =	simm.s32 @p1 $0x1;
	p0 =	seq.s32 s7, s2  }
0x1e: {  	s7 =	smul.u32 @!p0 $0xF7A, s2;
	p2 =	seq.s32 @!p0 s5, $0x0  }
0x1f: {  	s9 =	smul.u32 $0xF7A, s1;
	s8 =	simm.s32 @!p0 $0x1BF5;
	p2 =	por !p2, p0  }
0x20: {  	[sflag:s8] =	ssyncset.s32 @!p0 $0xFFFFF086;
	s6 =	sadd.s32 @!p0 s3, s7;
	s7 =	simm.s32 @!p0 $0x108  }
0x21: {  	s3 =	sadd.s32 s3, s9;
	s6 =	sadd.s32 @!p0 $0x88, s6;
	s7 =	simm.s32 @p2 $0x1082  }
0x22: {  	[simem:s7], [sflag:s8] =	dma.local @!p0 [hbm:s6], $0xF7A  }
0x23: {  	s9 =	sor.u32 $0xD0000000, s2;
	s6 =	simm.s32 $0x108;
	_ =	swait.ge @!p0 [sflag:s8], $0x0  }
0x24: {  	s3 =	sadd.s32 $0x88, s3;
	s6 =	simm.s32 @!p1 $0x1082;
	[sflag:s4] =	ssyncset.s32 $0xFFFFF086  }
0x25: {  	[simem:s6], [sflag:s4] =	dma.local [hbm:s3], $0xF7A  }
0x26: {  	[smem:$0x3F99] =	sst s1;
	(tag) =	ssettag s2;
	_ =	strace s9  }
0x27: {  	s1 =	sld [smem:$0x3FA9]  }
0x28: {  	s2 =	sld [smem:$0x3FAA]  }
0x29: {  	s4 =	sld [smem:$0x3FAC]  }
0x2a: {  	p0 =	seq.s32 s5, $0x0;
	s5 =	sld [smem:$0x3FAD]  }
0x2b: {  	s6 =	sld [smem:$0x3FAE]  }
0x2c: {  	s7 =	sld [smem:$0x3FAF]  }
0x2d: {  	s3 =	simm.s32 $0x108;
	s8 =	sld [smem:$0x3FB0]  }
0x2e: {  	s3 =	simm.s32 @!p0 $0x1082;
	s9 =	sld [smem:$0x3FB1]  }
0x2f: {  	lr =	sadd.s32 s0, s3;
	s0 =	sld [smem:$0x3FA8]  }
0x30: {  	s3 =	sld [smem:$0x3FAB]  }
0x31: {  	[smem:$0x3FB4] =	sst s10  }
0x32: {  	s10 =	sld [smem:$0x3FB2];
	_ =	sdelay $0x3  }
0x33: {  	p0 =	seq.s32 s10, $0x1;
	s10 =	sld [smem:$0x3FB4];
	_ =	sdelay $0x3  }
0x34: {  	[smem:$0x3FB4] =	sst s10  }
0x35: {  	s10 =	sld [smem:$0x3FB3];
	_ =	sdelay $0x3  }
0x36: {  	p1 =	seq.s32 s10, $0x1;
	s10 =	sld [smem:$0x3FB4];
	_ =	sdelay $0x3  }
0x37: {  	[smem:$0x3FB4] =	sst s10  }
0x38: {  	s10 =	sld [smem:$0x3FB5]  }
0x39: {  	_ = 	snop;
	(pc) =	sbr.ind lr, $3  }
0x3a: {  	_ = 	snop  }
0x3b: {  	_ = 	snop  }
0x3c: {  	p2 =	seq.s32 s10, $0x1;
	s10 =	sld [smem:$0x3FB4]  }
0x3d: {  	_ =	shalt  }
0x3e: {  	_ =	shalt  }
0x3f: {  	_ =	shalt  }
0x40: {  	_ =	shalt  }
0x41: {  	_ =	shalt  }
0x42: {  	_ =	shalt  }
0x43: {  	_ =	shalt  }
0x44: {  	_ =	shalt  }
0x45: {  	_ =	shalt  }
0x46: {  	_ =	shalt  }
0x47: {  	_ =	shalt  }
0x48: {  	_ =	shalt  }
0x49: {  	_ =	shalt  }
0x4a: {  	_ =	shalt  }
0x4b: {  	_ =	shalt  }
0x4c: {  	_ =	shalt  }
0x4d: {  	_ =	shalt  }
0x4e: {  	_ =	shalt  }
0x4f: {  	_ =	shalt  }
0x50: {  	_ =	shalt  }
0x51: {  	_ =	shalt  }
0x52: {  	_ =	shalt  }
0x53: {  	_ =	shalt  }
0x54: {  	_ =	shalt  }
0x55: {  	_ =	shalt  }
0x56: {  	_ =	shalt  }
0x57: {  	_ =	shalt  }
0x58: {  	_ =	shalt  }
0x59: {  	_ =	shalt  }
0x5a: {  	_ =	shalt  }
0x5b: {  	_ =	shalt  }
0x5c: {  	_ =	shalt  }
0x5d: {  	_ =	shalt  }
0x5e: {  	_ =	shalt  }
0x5f: {  	_ =	shalt  }
0x60: {  	_ =	shalt  }
0x61: {  	_ =	shalt  }
0x62: {  	_ =	shalt  }
0x63: {  	_ =	shalt  }
0x64: {  	_ =	shalt  }
0x65: {  	_ =	shalt  }
0x66: {  	_ =	shalt  }
0x67: {  	_ =	shalt  }
0x68: {  	_ =	shalt  }
0x69: {  	_ =	shalt  }
0x6a: {  	_ =	shalt  }
0x6b: {  	_ =	shalt  }
0x6c: {  	_ =	shalt  }
0x6d: {  	_ =	shalt  }
0x6e: {  	_ =	shalt  }
0x6f: {  	_ =	shalt  }
0x70: {  	_ =	shalt  }
0x71: {  	_ =	shalt  }
0x72: {  	_ =	shalt  }
0x73: {  	_ =	shalt  }
0x74: {  	_ =	shalt  }
0x75: {  	_ =	shalt  }
0x76: {  	_ =	shalt  }
0x77: {  	_ =	shalt  }
0x78: {  	_ =	shalt  }
0x79: {  	_ =	shalt  }
0x7a: {  	_ =	shalt  }
0x7b: {  	_ =	shalt  }
0x7c: {  	_ =	shalt  }
0x7d: {  	_ =	shalt  }
0x7e: {  	_ =	shalt  }
0x7f: {  	_ =	shalt  }
0x80: {  	_ =	shalt  }
0x81: {  	_ =	shalt  }
0x82: {  	_ =	shalt  }
0x83: {  	_ =	shalt  }
0x84: {  	_ =	shalt  }
0x85: {  	_ =	shalt  }
0x86: {  	_ =	shalt  }
0x87: {  	_ =	shalt  }
.Lfunc_end0:
.L_simem_size_0:
called_computation.2_lowered:
.L_overlay_start_0:
0x88: {  	s2 =	sld [smem:$0x3FD9]  }
0x89: {  	s3 =	sld [smem:$0x3FFE];
	_ =	sdelay $0x1  }
0x8a: {  	s1 =	srdreg.scid  }
0x8b: {  	s0 =	sand.u32 $0x1, s1  }
0x8c: {  	s17 =	sshll.u32 s0, $0xA;
	s2 =	sadd.s32 s3, s2  }
0x8d: {  	s2 =	sadd.s32 s2, s17  }
0x8e: {  	[smem:$0x3FC0] =	sst s2  }
0x8f: {  	_ = 	snop  }
0x90: {  	s2 =	sld [smem:$0x3FD0];
	(tm) =	ssettm $0x1  }
0x91: {  	s18 =	sld [smem:$0x3FFB];
	_ =	sdelay $0x3  }
0x92: {  	_ =	strace s18  }
0x93: {  	s3 =	sld [smem:$0x3FFC];
	_ =	sdelay $0x3  }
0x94: {  	_ =	strace s3  }
0x95: {  	s3 =	sld [smem:$0x3FFD];
	_ =	sdelay $0x3  }
0x96: {  	_ =	strace s3  }
0x97: {  	_ =	strace $0x8FFFFFFF  }
0x98: {  	s19 =	sld [smem:$0x3FDB];
	_ =	sdelay $0x1  }
0x99: {  	s4 =	simm.s32 $_scs_section_size  }
0x9a: {  	s5 =	simm.s32 $_size__tile_overlayer_lowered;
	s6 =	simm.s32 $_tile_overlayer_lowered  }
0x9b: {  	s22 =	simm.s32 $0x1BFF;
	s21 =	sshll.u32 s6, $0x1;
	s3 =	sadd.s32 s4, s19  }
0x9c: {  	s7 =	simm.s32 $0x0;
	s20 =	sshll.u32 s5, $0x1;
	s5 =	sadd.s32 s21, s3  }
0x9d: {  	[timem:s7], [sflag:s22] =	dma.local [hbm:s5], s20  }
0x9e: {  	_ =	swait.ge [sflag:s22], s20  }
0x9f: {  	s4 =	ssub.s32 $0x0, s20;
	[sflag:s22] =	ssyncset.done $0x0  }
0xa0: {  	[sflag:s22] =	ssyncadd.s32 s4;
	_ =	sdelay $0x1  }
0xa1: {  	s23 =	simm.s32 $0x1B8B  }
0xa2: {  	_ =	swait.ge [sflag:s23], $0x1  }
0xa3: {  	[sflag:s23] =	ssyncset.done $0x0  }
0xa4: {  	s25 =	simm.s32 $0x1B8E;
	s24 =	sld [smem:$0x3FFE];
	[sflag:s23] =	ssyncadd.s32 $0xFFFFFFFF  }
0xa5: {  	s26 =	simm.s32 $execute0_lowered;
	[smem:$0x3FD2] =	sst s25  }
0xa6: {  	s5 =	sshll.u32 s26, $0x1;
	_ =	strace $0x8000004C;
	[dreg:$0x1] =	wrdreg $0xFFFFFFFF  }
0xa7: {  	s28 =	simm.s32 $_size_execute0_lowered;
	s3 =	sadd.s32 s3, s5;
	[dreg:$0x0] =	wrdreg $0x0  }
0xa8: {  	s5 =	sshll.u32 s28, $0x1;
	[dreg:$0x2] =	wrdreg s3  }
0xa9: {  	[dreg:$0x3] =	wrdreg s5  }
0xaa: {  	[dreg:$0x4] =	wrdreg $0xC0  }
0xab: {  	_ =	task [dreg:s7], $0x5FFFF  }
0xac: {  	[dreg:$0x1] =	wrdreg $0xFFFFFFFF  }
0xad: {  	[dreg:$0x0] =	wrdreg $0x60  }
0xae: {  	[dreg:$0x2] =	wrdreg s2  }
0xaf: {  	[dreg:$0x3] =	wrdreg s24  }
0xb0: {  	[dreg:$0x4] =	wrdreg $0x7F800  }
0xb1: {  	[dreg:$0x5] =	wrdreg $0x9  }
0xb2: {  	_ =	task.clear_ibuf [dreg:s7], $0x6FFFF;
	_ =	strace $0x9000004C  }
0xb3: {  	s29 =	simm.s32 $0x9;
	_ =	strace $0x8000004E  }
0xb4: {  	_ =	swait.ge [sflag:s29], $0x1  }
0xb5: {  	[sflag:s29] =	ssyncadd.s32 $0xFFFFFFFF  }
0xb6: {  	_ =	strace $0x9000004E  }
0xb7: {  	_ =	sfence  }
0xb8: {  	s30 =	sld [smem:$0x0];
	_ =	sdelay $0x2  }
0xb9: {  	s31 =	sshll.u32 s1, $0xD;
	s1 =	sshrl.u32 s1, $0x2  }
0xba: {  	s3 =	sand.u32 $0x4000, s31;
	s1 =	sadd.s32 s1, s30  }
0xbb: {  	s0 =	sor.u32 s3, s0;
	s1 =	sshll.u32 s1, $0x11  }
0xbc: {  	s0 =	sor.u32 s1, s0  }
0xbd: {  	s0 =	sadd.s32 $0x8F2B, s0  }
0xbe: {  	[sflag:s0] =	ssyncadd.remote.s32 $0x1  }
0xbf: {  	_ =	sfence.sel $0xFFFF  }
0xc0: {  	[dreg:$0x0] =	wrdreg $0xFFFFFFFF;
	(pc) =	sbr.abs _section_cstart, $3  }
0xc1: {  	[dreg:$0x1] =	wrdreg $0xFFFFFFFF  }
0xc2: {  	_ =	task.clear_ibuf [dreg:s7], $0x2FFFF;
	_ =	strace $0x9FFFFFFF  }
0xc3: {  	(tm) =	ssettm $0x7FFFFFFF  }
tec
execute0_lowered:
.L_overlay_start_1:
0x0: {  	(tag) =	ssettag $0x1  }
0x1: {  	s1 =	rddreg [dreg:$0x0]  }
0x2: {  	s6 =	rddreg [dreg:$0x1]  }
0x3: {  	s0 =	srdreg.scid;
	s3 =	rddreg [dreg:$0x2]  }
0x4: {  	s4 =	simm.s32 $0x0;
	s12 =	simm.s32 $0x2;
	s13 =	simm.s32 $0x2800  }
0x5: {  	s14 =	simm.s32 $0x80;
	s15 =	simm.s32 $0x5000;
	s16 =	simm.s32 $0x1  }
0x6: {  	s17 =	simm.s32 $0x0;
	s5 =	sand.u32 $0x1, s0;
	s0 =	stileid.u32  }
0x7: {  	[smem:$0x7FF] =	sst s4;
	s2 =	sshll.u32 s5, $0x4;
	s8 =	smul.u32 $0x2780, s0  }
0x8: {  	s9 =	smul.u32 $0x27800, s5;
	s5 =	ssub.s32 $0x2, s5;
	s2 =	sor.u32 s0, s2  }
0x9: {  	s11 =	sshrl.u32 s5, $0x1;
	s7 =	smul.u32 $0x500, s2;
	s2 =	rddreg [dreg:$0x3]  }
0xa: {  	_ =	strace $0x8000004D;
	s31 =	sshrl.u32 s8, $0x3;
	s9 =	sadd.s32 s8, s9  }
0xb: {  	s11 =	ssub.s32 s5, s11;
	s9 =	sshrl.u32 s9, $0x3;
	s10 =	sadd.s32 s7, s6  }
0xc: {  	s7 =	sadd.s32 s31, s6;
	s9 =	sadd.s32 s9, s6;
	s6 =	sadd.s32 s8, s3  }
0xd: {  	s5 =	sadd.s32 $0x3200, s7;
	s7 =	sadd.s32 $0x17E00, s10;
	s8 =	sadd.s32 $0xD200, s10  }
0xe: {  	s9 =	sadd.s32 $0x70E00, s9;
	s10 =	smax.u32 s11, $0x1;
	s11 =	simm.s32 $0x5800  }
.LBB2_1:
0xf: {  	[tilespmem:s11], [sflag:$0x2] =	stream.linear.gather [hbm4b:s5+s4], $0x2780, $0x38;
	[tilespmem:$0xA700] =	vst v63  }
0x10: {  	_ =	swait.ge [sflag:s12], $0x2780  }
0x11: {  	[sflag:s12] =	ssyncset.done $0x0  }
0x12: {  	[sflag:s12] =	ssyncadd.s32 $0xFFFFD880  }
0x13: {  	[spmem:s6] =	stream.linear.scatter [tilespmem:s11], [sflag:$0x2], $0x2780, $0x38;
	[tilespmem:$0xA700] =	vst v63  }
0x14: {  	_ =	swait.ge [sflag:s12], $0x2780  }
0x15: {  	[sflag:s12] =	ssyncset.done $0x0  }
0x16: {  	[sflag:s12] =	ssyncadd.s32 $0xFFFFD880  }
0x17: {  	[tilespmem:s4], [sflag:$0x2] =	stream.linear.gather [hbm4b:s7+s4], $0x2800, $0x38;
	[tilespmem:$0xA700] =	vst v63  }
0x18: {  	_ =	swait.ge [sflag:s12], $0x2800  }
0x19: {  	[sflag:s12] =	ssyncset.done $0x0  }
0x1a: {  	[sflag:s12] =	ssyncadd.s32 $0xFFFFD800  }
0x1b: {  	[tilespmem:s13], [sflag:$0x2] =	stream.linear.gather [hbm4b:s8+s4], $0x2800, $0x38;
	[tilespmem:$0xA700] =	vst v63  }
0x1c: {  	_ =	swait.ge [sflag:s12], $0x2800  }
0x1d: {  	[sflag:s12] =	ssyncset.done $0x0  }
0x1e: {  	[sflag:s12] =	ssyncadd.s32 $0xFFFFD800  }
0x1f: {  	s18 =	simm.s32 $0x0;
	[bflag:$0x0] =	sbarrier.arrive $0xFFFF  }
0x20: {  	[tilespmem:s15], [sflag:$0x1] =	stream.indirect.gather [hbm4b:s1+s14], $0x10, s18, s14, $0xb8;
	[tilespmem:$0xA700] =	vst v63  }
0x21: {  	_ =	swait.ge [sflag:s16], $0x800  }
0x22: {  	[sflag:s16] =	ssyncset.done $0x0  }
0x23: {  	s31 =	simm.s32 $0x2800;
	[sflag:s16] =	ssyncadd.s32 $0xFFFFF800  }
0x24: {  	[spmem:s3] =	stream.indirect.scatter.add.f32 [tilespmem:s15], [sflag:$0x2], $0x10, s31, s14, $0xb8;
	[tilespmem:$0xA700] =	vst v63  }
0x25: {  	_ =	swait.ge [sflag:s12], $0x800  }
0x26: {  	s19 =	simm.s32 $0x400;
	s18 =	simm.s32 $0x200;
	[sflag:s12] =	ssyncset.done $0x0  }
.LBB2_2:
0x27: {  	s20 =	sshra.s32 s18, $0x2  }
0x28: {  	[sflag:s12] =	ssyncadd.s32 $0xFFFFF800;
	s18 =	smov.u32 s19;
	s21 =	sadd.s32 $0x200, s19  }
0x29: {  	[tilespmem:s15], [sflag:$0x1] =	stream.indirect.gather [hbm4b:s1+s14], $0x10, s20, s14, $0xb8;
	[tilespmem:$0xA700] =	vst v63  }
0x2a: {  	p0 =	sne.s32 s19, $0x9E00;
	_ =	swait.ge [sflag:s16], $0x800  }
.Ltmp0:
0x2b: {  	[sflag:s16] =	ssyncset.done $0x0;
	(pc) =	sbr.rel @p0 .LBB2_2-.Ltmp0, $4  }
0x2c: {  	s19 =	sadd.s32 $0x2800, s20;
	[sflag:s16] =	ssyncadd.s32 $0xFFFFF800  }
0x2d: {  	[spmem:s3] =	stream.indirect.scatter.add.f32 [tilespmem:s15], [sflag:$0x2], $0x10, s19, s14, $0xb8;
	[tilespmem:$0xA700] =	vst v63  }
0x2e: {  	_ =	swait.ge [sflag:s12], $0x800  }
0x2f: {  	s19 =	smov.u32 s21;
	[sflag:s12] =	ssyncset.done $0x0  }
0x30: {  	s18 =	sshra.s32 s18, $0x2;
	[sflag:s12] =	ssyncadd.s32 $0xFFFFF800  }
0x31: {  	[tilespmem:s15], [sflag:$0x1] =	stream.indirect.gather [hbm4b:s1+s14], $0x10, s18, s14, $0xb8;
	[tilespmem:$0xA700] =	vst v63  }
0x32: {  	_ =	swait.ge [sflag:s16], $0x800  }
0x33: {  	[sflag:s16] =	ssyncset.done $0x0  }
0x34: {  	s18 =	sadd.s32 $0x2800, s18;
	[sflag:s16] =	ssyncadd.s32 $0xFFFFF800  }
0x35: {  	[spmem:s3] =	stream.indirect.scatter.add.f32 [tilespmem:s15], [sflag:$0x2], $0x10, s18, s14, $0xb8;
	[tilespmem:$0xA700] =	vst v63  }
0x36: {  	_ =	swait.ge [sflag:s12], $0x800  }
0x37: {  	[sflag:s12] =	ssyncset.done $0x0  }
0x38: {  	[sflag:s12] =	ssyncadd.s32 $0xFFFFF800  }
0x39: {  	[bflag:$0x0] =	sbarrier.arrive $0xFFFF  }
0x3a: {  	[tilespmem:s11], [sflag:$0x2] =	stream.linear.gather [spmem:s6], $0x2780, $0x38;
	[tilespmem:$0xA700] =	vst v63  }
0x3b: {  	s17 =	sadd.s32 $0x1, s17;
	_ =	swait.ge [sflag:s12], $0x2780  }
0x3c: {  	p0 =	sne.s32 s17, s10;
	[sflag:s12] =	ssyncset.done $0x0  }
.Ltmp1:
0x3d: {  	[sflag:s12] =	ssyncadd.s32 $0xFFFFD880;
	(pc) =	sbr.rel @p0 .LBB2_1-.Ltmp1, $4  }
0x3e: {  	[hbm4b:s9+s4] =	stream.linear.scatter [tilespmem:s11], [sflag:$0x2], $0x2780, $0x38;
	[tilespmem:$0xA700] =	vst v63  }
0x3f: {  	_ =	swait.ge [sflag:s12], $0x2780  }
0x40: {  	[sflag:s12] =	ssyncset.done $0x0  }
0x41: {  	[sflag:s12] =	ssyncadd.s32 $0xFFFFD880  }
0x42: {  	_ =	sfence.sel $0x180000  }
0x43: {  	[bflag:$0x0] =	sbarrier.arrive $0xFFFF  }
0x44: {  	p0 =	sne.s32 s0, $0x0;
	_ =	strace $0x9000004D  }
0x45: {  	s0 =	sadd.s32 @!p0 $0x100000, s2;
	[bflag:$0x2] =	sbarrier.arrive $0xFFFF  }
0x46: {  	[sflag:s0] =	ssyncadd.tile.s32 @!p0 $0x1;
	_ =	shalt  }
.Lfunc_end2:
_tile_overlayer_lowered:
.L_overlay_start_2:
0x47: {  	(tag) =	ssettag $0x2  }
0x48: {  	s0 =	rddreg [dreg:$0x0];
	s2 =	stileid.u32  }
0x49: {  	s1 =	rddreg [dreg:$0x1];
	p0 =	sne.s32 s2, $0x0  }
0x4a: {  	s3 =	rddreg [dreg:$0x2];
	[bflag:$0x3] =	sbarrier.arrive $0xFFFF;
	s2 =	simm.s32 @!p0 $0x1C02  }
0x4b: {  	[timem:s3], [sflag:s2] =	dma.local @!p0 [hbm:s0], s1  }
0x4c: {  	s0 =	simm.s32 @!p0 $0x2  }
0x4d: {  	_ =	swait.ge @!p0 [sflag:s0], s1  }
0x4e: {  	s1 =	ssub.s32 @!p0 $0x0, s1;
	[sflag:s0] =	ssyncset.done @!p0 $0x0  }
0x4f: {  	[sflag:s0] =	ssyncadd.s32 @!p0 s1  }
0x50: {  	[bflag:$0x3] =	sbarrier.arrive $0xFFFF  }
0x51: {  	_ =	shalt  }

// kernel: kernel.8.cloned.1.call-start
scs
__scs_entry_jumppad:
0x0: {  	(pc) =	sbr.rel $0x88, $3  }
0x1: {  	(tag) =	ssettag $0x0;
	lr =	simm.s32 $0x1  }
0x2: {  	[smem:$0x3F99] =	sst lr;
	_ =	strace $0xD0000000  }
0x3: {  	_ = 	snop  }
0x4: {  	_ = 	snop  }
0x5: {  	_ = 	snop  }
0x6: {  	_ = 	snop  }
0x7: {  	_ = 	snop  }
__scs_overlays_trampoline_lowered:
0x8: {  	[smem:$0x3FA8] =	sst s0  }
0x9: {  	[smem:$0x3FA9] =	sst s1  }
0xa: {  	[smem:$0x3FAA] =	sst s2  }
0xb: {  	[smem:$0x3FAB] =	sst s3  }
0xc: {  	[smem:$0x3FAC] =	sst s4  }
0xd: {  	[smem:$0x3FAD] =	sst s5  }
0xe: {  	[smem:$0x3FAE] =	sst s6  }
0xf: {  	[smem:$0x3FAF] =	sst s7  }
0x10: {  	[smem:$0x3FB0] =	sst s8  }
0x11: {  	[smem:$0x3FB1] =	sst s9;
	s0 =	simm.s32 @!p0 $0x0  }
0x12: {  	s1 =	sld [smem:$0x3F97];
	s0 =	simm.s32 @p0 $0x1  }
0x13: {  	[smem:$0x3FB2] =	sst s0;
	s0 =	simm.s32 @!p1 $0x0  }
0x14: {  	s2 =	sld [smem:$0x3F96];
	s0 =	simm.s32 @p1 $0x1  }
0x15: {  	[smem:$0x3FB3] =	sst s0;
	s0 =	simm.s32 @!p2 $0x0  }
0x16: {  	s3 =	sld [smem:$0x3FDB];
	s0 =	simm.s32 @p2 $0x1  }
0x17: {  	s4 =	simm.s32 $0x1BF5;
	[smem:$0x3FB5] =	sst s0  }
0x18: {  	s0 =	sld [smem:$0x3F98];
	_ =	swait.ge [sflag:s4], $0x0  }
0x19: {  	s7 =	sld [smem:$0x3F99]  }
0x1a: {  	s8 =	sadd.s32 $0xFFFFE003, lr  }
0x1b: {  	s9 =	sadd.s32 $0xFFFFFEF7, lr;
	s5 =	simm.s32 $0xFFFFFFFF;
	p2 =	slt.u32 s8, $0xFFFFF086  }
0x1c: {  	p1 =	slt.u32 s9, $0xF7A;
	s5 =	simm.s32 @!p2 $0x0  }
0x1d: {  	s5 =	simm.s32 @p1 $0x1;
	p0 =	seq.s32 s7, s2  }
0x1e: {  	s7 =	smul.u32 @!p0 $0xF7A, s2;
	p2 =	seq.s32 @!p0 s5, $0x0  }
0x1f: {  	s9 =	smul.u32 $0xF7A, s1;
	s8 =	simm.s32 @!p0 $0x1BF5;
	p2 =	por !p2, p0  }
0x20: {  	[sflag:s8] =	ssyncset.s32 @!p0 $0xFFFFF086;
	s6 =	sadd.s32 @!p0 s3, s7;
	s7 =	simm.s32 @!p0 $0x108  }
0x21: {  	s3 =	sadd.s32 s3, s9;
	s6 =	sadd.s32 @!p0 $0x88, s6;
	s7 =	simm.s32 @p2 $0x1082  }
0x22: {  	[simem:s7], [sflag:s8] =	dma.local @!p0 [hbm:s6], $0xF7A  }
0x23: {  	s9 =	sor.u32 $0xD0000000, s2;
	s6 =	simm.s32 $0x108;
	_ =	swait.ge @!p0 [sflag:s8], $0x0  }
0x24: {  	s3 =	sadd.s32 $0x88, s3;
	s6 =	simm.s32 @!p1 $0x1082;
	[sflag:s4] =	ssyncset.s32 $0xFFFFF086  }
0x25: {  	[simem:s6], [sflag:s4] =	dma.local [hbm:s3], $0xF7A  }
0x26: {  	[smem:$0x3F99] =	sst s1;
	(tag) =	ssettag s2;
	_ =	strace s9  }
0x27: {  	s1 =	sld [smem:$0x3FA9]  }
0x28: {  	s2 =	sld [smem:$0x3FAA]  }
0x29: {  	s4 =	sld [smem:$0x3FAC]  }
0x2a: {  	p0 =	seq.s32 s5, $0x0;
	s5 =	sld [smem:$0x3FAD]  }
0x2b: {  	s6 =	sld [smem:$0x3FAE]  }
0x2c: {  	s7 =	sld [smem:$0x3FAF]  }
0x2d: {  	s3 =	simm.s32 $0x108;
	s8 =	sld [smem:$0x3FB0]  }
0x2e: {  	s3 =	simm.s32 @!p0 $0x1082;
	s9 =	sld [smem:$0x3FB1]  }
0x2f: {  	lr =	sadd.s32 s0, s3;
	s0 =	sld [smem:$0x3FA8]  }
0x30: {  	s3 =	sld [smem:$0x3FAB]  }
0x31: {  	[smem:$0x3FB4] =	sst s10  }
0x32: {  	s10 =	sld [smem:$0x3FB2];
	_ =	sdelay $0x3  }
0x33: {  	p0 =	seq.s32 s10, $0x1;
	s10 =	sld [smem:$0x3FB4];
	_ =	sdelay $0x3  }
0x34: {  	[smem:$0x3FB4] =	sst s10  }
0x35: {  	s10 =	sld [smem:$0x3FB3];
	_ =	sdelay $0x3  }
0x36: {  	p1 =	seq.s32 s10, $0x1;
	s10 =	sld [smem:$0x3FB4];
	_ =	sdelay $0x3  }
0x37: {  	[smem:$0x3FB4] =	sst s10  }
0x38: {  	s10 =	sld [smem:$0x3FB5]  }
0x39: {  	_ = 	snop;
	(pc) =	sbr.ind lr, $3  }
0x3a: {  	_ = 	snop  }
0x3b: {  	_ = 	snop  }
0x3c: {  	p2 =	seq.s32 s10, $0x1;
	s10 =	sld [smem:$0x3FB4]  }
0x3d: {  	_ =	shalt  }
0x3e: {  	_ =	shalt  }
0x3f: {  	_ =	shalt  }
0x40: {  	_ =	shalt  }
0x41: {  	_ =	shalt  }
0x42: {  	_ =	shalt  }
0x43: {  	_ =	shalt  }
0x44: {  	_ =	shalt  }
0x45: {  	_ =	shalt  }
0x46: {  	_ =	shalt  }
0x47: {  	_ =	shalt  }
0x48: {  	_ =	shalt  }
0x49: {  	_ =	shalt  }
0x4a: {  	_ =	shalt  }
0x4b: {  	_ =	shalt  }
0x4c: {  	_ =	shalt  }
0x4d: {  	_ =	shalt  }
0x4e: {  	_ =	shalt  }
0x4f: {  	_ =	shalt  }
0x50: {  	_ =	shalt  }
0x51: {  	_ =	shalt  }
0x52: {  	_ =	shalt  }
0x53: {  	_ =	shalt  }
0x54: {  	_ =	shalt  }
0x55: {  	_ =	shalt  }
0x56: {  	_ =	shalt  }
0x57: {  	_ =	shalt  }
0x58: {  	_ =	shalt  }
0x59: {  	_ =	shalt  }
0x5a: {  	_ =	shalt  }
0x5b: {  	_ =	shalt  }
0x5c: {  	_ =	shalt  }
0x5d: {  	_ =	shalt  }
0x5e: {  	_ =	shalt  }
0x5f: {  	_ =	shalt  }
0x60: {  	_ =	shalt  }
0x61: {  	_ =	shalt  }
0x62: {  	_ =	shalt  }
0x63: {  	_ =	shalt  }
0x64: {  	_ =	shalt  }
0x65: {  	_ =	shalt  }
0x66: {  	_ =	shalt  }
0x67: {  	_ =	shalt  }
0x68: {  	_ =	shalt  }
0x69: {  	_ =	shalt  }
0x6a: {  	_ =	shalt  }
0x6b: {  	_ =	shalt  }
0x6c: {  	_ =	shalt  }
0x6d: {  	_ =	shalt  }
0x6e: {  	_ =	shalt  }
0x6f: {  	_ =	shalt  }
0x70: {  	_ =	shalt  }
0x71: {  	_ =	shalt  }
0x72: {  	_ =	shalt  }
0x73: {  	_ =	shalt  }
0x74: {  	_ =	shalt  }
0x75: {  	_ =	shalt  }
0x76: {  	_ =	shalt  }
0x77: {  	_ =	shalt  }
0x78: {  	_ =	shalt  }
0x79: {  	_ =	shalt  }
0x7a: {  	_ =	shalt  }
0x7b: {  	_ =	shalt  }
0x7c: {  	_ =	shalt  }
0x7d: {  	_ =	shalt  }
0x7e: {  	_ =	shalt  }
0x7f: {  	_ =	shalt  }
0x80: {  	_ =	shalt  }
0x81: {  	_ =	shalt  }
0x82: {  	_ =	shalt  }
0x83: {  	_ =	shalt  }
0x84: {  	_ =	shalt  }
0x85: {  	_ =	shalt  }
0x86: {  	_ =	shalt  }
0x87: {  	_ =	shalt  }
.Lfunc_end0:
.L_simem_size_0:
called_computation_lowered:
.L_overlay_start_0:
0x88: {  	s2 =	sld [smem:$0x3FD9]  }
0x89: {  	s3 =	sld [smem:$0x3FFE];
	_ =	sdelay $0x1  }
0x8a: {  	s1 =	srdreg.scid  }
0x8b: {  	s0 =	sand.u32 $0x1, s1  }
0x8c: {  	s17 =	sshll.u32 s0, $0xA;
	s2 =	sadd.s32 s3, s2  }
0x8d: {  	s2 =	sadd.s32 s2, s17  }
0x8e: {  	[smem:$0x3FC0] =	sst s2  }
0x8f: {  	_ = 	snop  }
0x90: {  	s2 =	sld [smem:$0x3FD0];
	(tm) =	ssettm $0x1  }
0x91: {  	s18 =	sld [smem:$0x3FFB];
	_ =	sdelay $0x3  }
0x92: {  	_ =	strace s18  }
0x93: {  	s3 =	sld [smem:$0x3FFC];
	_ =	sdelay $0x3  }
0x94: {  	_ =	strace s3  }
0x95: {  	s3 =	sld [smem:$0x3FFD];
	_ =	sdelay $0x3  }
0x96: {  	_ =	strace s3  }
0x97: {  	_ =	strace $0x8FFFFFFF  }
0x98: {  	s19 =	sld [smem:$0x3FDB];
	_ =	sdelay $0x1  }
0x99: {  	s4 =	simm.s32 $_scs_section_size  }
0x9a: {  	s5 =	simm.s32 $_size__tile_overlayer_lowered;
	s6 =	simm.s32 $_tile_overlayer_lowered  }
0x9b: {  	s22 =	simm.s32 $0x1BFF;
	s21 =	sshll.u32 s6, $0x1;
	s3 =	sadd.s32 s4, s19  }
0x9c: {  	s7 =	simm.s32 $0x0;
	s20 =	sshll.u32 s5, $0x1;
	s5 =	sadd.s32 s21, s3  }
0x9d: {  	[timem:s7], [sflag:s22] =	dma.local [hbm:s5], s20  }
0x9e: {  	_ =	swait.ge [sflag:s22], s20  }
0x9f: {  	s4 =	ssub.s32 $0x0, s20;
	[sflag:s22] =	ssyncset.done $0x0  }
0xa0: {  	[sflag:s22] =	ssyncadd.s32 s4;
	_ =	sdelay $0x1  }
0xa1: {  	s23 =	simm.s32 $0x1B8B  }
0xa2: {  	_ =	swait.ge [sflag:s23], $0x1  }
0xa3: {  	[sflag:s23] =	ssyncset.done $0x0  }
0xa4: {  	s25 =	simm.s32 $0x1B8E;
	s24 =	sld [smem:$0x3FFE];
	[sflag:s23] =	ssyncadd.s32 $0xFFFFFFFF  }
0xa5: {  	s26 =	simm.s32 $execute0_lowered;
	[smem:$0x3FD2] =	sst s25  }
0xa6: {  	s5 =	sshll.u32 s26, $0x1;
	_ =	strace $0x80000046;
	[dreg:$0x1] =	wrdreg $0xFFFFFFFF  }
0xa7: {  	s28 =	simm.s32 $_size_execute0_lowered;
	s3 =	sadd.s32 s3, s5;
	[dreg:$0x0] =	wrdreg $0x0  }
0xa8: {  	s5 =	sshll.u32 s28, $0x1;
	[dreg:$0x2] =	wrdreg s3  }
0xa9: {  	[dreg:$0x3] =	wrdreg s5  }
0xaa: {  	[dreg:$0x4] =	wrdreg $0xC0  }
0xab: {  	_ =	task [dreg:s7], $0x5FFFF  }
0xac: {  	[dreg:$0x1] =	wrdreg $0xFFFFFFFF  }
0xad: {  	[dreg:$0x0] =	wrdreg $0x60  }
0xae: {  	[dreg:$0x2] =	wrdreg s24  }
0xaf: {  	[dreg:$0x3] =	wrdreg s2  }
0xb0: {  	[dreg:$0x4] =	wrdreg $0x2B000  }
0xb1: {  	[dreg:$0x5] =	wrdreg $0x9  }
0xb2: {  	_ =	task.clear_ibuf [dreg:s7], $0x6FFFF;
	_ =	strace $0x90000046  }
0xb3: {  	s29 =	simm.s32 $0x9;
	_ =	strace $0x80000048  }
0xb4: {  	_ =	swait.ge [sflag:s29], $0x1  }
0xb5: {  	[sflag:s29] =	ssyncadd.s32 $0xFFFFFFFF  }
0xb6: {  	_ =	strace $0x90000048  }
0xb7: {  	_ =	sfence  }
0xb8: {  	s30 =	sld [smem:$0x0];
	_ =	sdelay $0x2  }
0xb9: {  	s31 =	sshll.u32 s1, $0xD;
	s1 =	sshrl.u32 s1, $0x2  }
0xba: {  	s3 =	sand.u32 $0x4000, s31;
	s1 =	sadd.s32 s1, s30  }
0xbb: {  	s0 =	sor.u32 s3, s0;
	s1 =	sshll.u32 s1, $0x11  }
0xbc: {  	s0 =	sor.u32 s1, s0  }
0xbd: {  	s0 =	sadd.s32 $0x8F2B, s0  }
0xbe: {  	[sflag:s0] =	ssyncadd.remote.s32 $0x1  }
0xbf: {  	_ =	sfence.sel $0xFFFF  }
0xc0: {  	[dreg:$0x0] =	wrdreg $0xFFFFFFFF;
	(pc) =	sbr.abs _section_cstart, $3  }
0xc1: {  	[dreg:$0x1] =	wrdreg $0xFFFFFFFF  }
0xc2: {  	_ =	task.clear_ibuf [dreg:s7], $0x2FFFF;
	_ =	strace $0x9FFFFFFF  }
0xc3: {  	(tm) =	ssettm $0x7FFFFFFF  }
tec
execute0_lowered:
.L_overlay_start_1:
0x0: {  	(tag) =	ssettag $0x1  }
0x1: {  	s8 =	rddreg [dreg:$0x0]  }
0x2: {  	s0 =	srdreg.scid;
	s4 =	rddreg [dreg:$0x1]  }
0x3: {  	s2 =	rddreg [dreg:$0x2];
	s1 =	stileid.u32;
	s11 =	simm.s32 $0x17800  }
0x4: {  	s12 =	simm.s32 $0x2800;
	s13 =	simm.s32 $0x0;
	s5 =	sand.u32 $0x1, s0  }
0x5: {  	s0 =	rddreg [dreg:$0x3];
	s10 =	smul.u32 $0x278, s1;
	s3 =	sshll.u32 s5, $0x4  }
0x6: {  	s7 =	ssub.s32 $0x2, s5;
	p0 =	seq.s32 s5, $0x1;
	s6 =	sor.u32 s1, s3  }
0x7: {  	s3 =	simm.s32 $0x0;
	s9 =	sshrl.u32 s7, $0x1;
	s31 =	sshrl.u32 s10, $0x3  }
0x8: {  	s5 =	sadd.s32 s10, s2;
	s11 =	simm.s32 @!p0 $0x17200;
	s10 =	simm.s32 $0x1  }
0x9: {  	s6 =	smul.u32 $0x500, s6;
	[smem:$0x7FF] =	sst s3;
	s7 =	ssub.s32 s7, s9  }
0xa: {  	s4 =	sadd.s32 s4, s31;
	s9 =	simm.s32 $0x2880;
	_ =	strace $0x80000047  }
0xb: {  	s7 =	smax.u32 s7, $0x1;
	s6 =	sadd.s32 s6, s8;
	s8 =	sadd.s32 s11, s8  }
0xc: {  	v0 =	vimm.f32 $1.000000000e+00;
	s11 =	simm.s32 $0x80;
	s6 =	sadd.s32 $0x3200, s6;
	s8 =	sadd.s32 s8, s31  }
.LBB2_1:
0xd: {  	[tilespmem:s9], [sflag:$0x1] =	stream.linear.gather [hbm4b:s4+s3], $0x278, $0x38;
	[tilespmem:$0x2D78] =	vst v63  }
0xe: {  	_ =	swait.ge [sflag:s10], $0x278  }
0xf: {  	[sflag:s10] =	ssyncset.done $0x0  }
0x10: {  	[sflag:s10] =	ssyncadd.s32 $0xFFFFFD88  }
0x11: {  	[spmem:s5] =	stream.linear.scatter [tilespmem:s9], [sflag:$0x1], $0x278, $0x38;
	[tilespmem:$0x2D78] =	vst v63  }
0x12: {  	_ =	swait.ge [sflag:s10], $0x278  }
0x13: {  	[sflag:s10] =	ssyncset.done $0x0  }
0x14: {  	[sflag:s10] =	ssyncadd.s32 $0xFFFFFD88  }
0x15: {  	[tilespmem:$0x2800] =	vst v0  }
0x16: {  	[tilespmem:$0x2810] =	vst v0  }
0x17: {  	[tilespmem:$0x2820] =	vst v0  }
0x18: {  	[tilespmem:$0x2830] =	vst v0  }
0x19: {  	[tilespmem:$0x2840] =	vst v0  }
0x1a: {  	[tilespmem:$0x2850] =	vst v0  }
0x1b: {  	[tilespmem:$0x2860] =	vst v0  }
0x1c: {  	[tilespmem:$0x2870] =	vst v0  }
0x1d: {  	[tilespmem:s3], [sflag:$0x1] =	stream.linear.gather [hbm4b:s6+s3], $0x2800, $0x38;
	[tilespmem:$0x2D78] =	vst v63  }
0x1e: {  	_ =	swait.ge [sflag:s10], $0x2800  }
0x1f: {  	[sflag:s10] =	ssyncset.done $0x0  }
0x20: {  	[sflag:s10] =	ssyncadd.s32 $0xFFFFD800  }
0x21: {  	s14 =	simm.s32 $0x0;
	[bflag:$0x0] =	sbarrier.arrive $0xFFFF  }
0x22: {  	[spmem:s2] =	stream.indirect.scatter.add.f32 [tilespmem:s12], [sflag:$0x1], $0x1, s14, s11, $0xb8;
	[tilespmem:$0x2D78] =	vst v63  }
0x23: {  	_ =	swait.ge [sflag:s10], $0x80  }
0x24: {  	s14 =	simm.s32 $0x200;
	[sflag:s10] =	ssyncset.done $0x0  }
.LBB2_2:
0x25: {  	s15 =	sshra.s32 s14, $0x2;
	[sflag:s10] =	ssyncadd.s32 $0xFFFFFF80;
	p0 =	sne.s32 s14, $0x9E00  }
0x26: {  	[spmem:s2] =	stream.indirect.scatter.add.f32 [tilespmem:s12], [sflag:$0x1], $0x1, s15, s11, $0xb8;
	[tilespmem:$0x2D78] =	vst v63  }
.Ltmp0:
0x27: {  	_ = 	snop;
	(pc) =	sbr.rel @p0 .LBB2_2-.Ltmp0, $4  }
0x28: {  	_ = 	snop  }
0x29: {  	s14 =	sadd.s32 $0x200, s14  }
0x2a: {  	_ =	swait.ge [sflag:s10], $0x80  }
0x2b: {  	[sflag:s10] =	ssyncset.done $0x0  }
0x2c: {  	[sflag:s10] =	ssyncadd.s32 $0xFFFFFF80  }
0x2d: {  	[bflag:$0x0] =	sbarrier.arrive $0xFFFF  }
0x2e: {  	[tilespmem:s9], [sflag:$0x1] =	stream.linear.gather [spmem:s5], $0x278, $0x38;
	[tilespmem:$0x2D78] =	vst v63  }
0x2f: {  	s13 =	sadd.s32 $0x1, s13;
	_ =	swait.ge [sflag:s10], $0x278  }
0x30: {  	p0 =	sne.s32 s13, s7;
	[sflag:s10] =	ssyncset.done $0x0  }
.Ltmp1:
0x31: {  	[sflag:s10] =	ssyncadd.s32 $0xFFFFFD88;
	(pc) =	sbr.rel @p0 .LBB2_1-.Ltmp1, $4  }
0x32: {  	[hbm4b:s8+s3] =	stream.linear.scatter [tilespmem:s9], [sflag:$0x1], $0x278, $0x38;
	[tilespmem:$0x2D78] =	vst v63  }
0x33: {  	_ =	swait.ge [sflag:s10], $0x278  }
0x34: {  	[sflag:s10] =	ssyncset.done $0x0  }
0x35: {  	[sflag:s10] =	ssyncadd.s32 $0xFFFFFD88  }
0x36: {  	_ =	sfence.sel $0x180000  }
0x37: {  	[bflag:$0x0] =	sbarrier.arrive $0xFFFF  }
0x38: {  	p0 =	sne.s32 s1, $0x0;
	_ =	strace $0x90000047  }
0x39: {  	s0 =	sadd.s32 @!p0 $0x100000, s0;
	[bflag:$0x2] =	sbarrier.arrive $0xFFFF  }
0x3a: {  	[sflag:s0] =	ssyncadd.tile.s32 @!p0 $0x1;
	_ =	shalt  }
.Lfunc_end2:
_tile_overlayer_lowered:
.L_overlay_start_2:
0x3b: {  	(tag) =	ssettag $0x2  }
0x3c: {  	s0 =	rddreg [dreg:$0x0];
	s2 =	stileid.u32  }
0x3d: {  	s1 =	rddreg [dreg:$0x1];
	p0 =	sne.s32 s2, $0x0  }
0x3e: {  	s3 =	rddreg [dreg:$0x2];
	[bflag:$0x3] =	sbarrier.arrive $0xFFFF;
	s2 =	simm.s32 @!p0 $0x1C01  }
0x3f: {  	[timem:s3], [sflag:s2] =	dma.local @!p0 [hbm:s0], s1  }
0x40: {  	s0 =	simm.s32 @!p0 $0x1  }
0x41: {  	_ =	swait.ge @!p0 [sflag:s0], s1  }
0x42: {  	s1 =	ssub.s32 @!p0 $0x0, s1;
	[sflag:s0] =	ssyncset.done @!p0 $0x0  }
0x43: {  	[sflag:s0] =	ssyncadd.s32 @!p0 s1  }
0x44: {  	[bflag:$0x3] =	sbarrier.arrive $0xFFFF  }
0x45: {  	_ =	shalt  }

</sc_bundles>
